<compile_context>
chip_gen: v7x
topology: tpu7x:2x2x1
jax: 0.10.2.dev20260603
libtpu: 0.0.44.dev20260713+nightly
codegen_flags: <defaults>
</compile_context>

<pallas_src>
import functools

import jax
import jax.numpy as jnp
from jax import lax
from jax.experimental import pallas as pl
from jax.experimental.pallas import tpu as pltpu
from jax.experimental.pallas import tpu_sc as plsc

NUM_FIELDS = 26
VOCAB = 100000
HIDDEN = 128
BATCH = 16384

NC = 2
NS = 16
NW = NC * NS

TOTAL_ROWS = BATCH * NUM_FIELDS
ROWS_PER_W = TOTAL_ROWS // NW
CHUNK = 104
HALF_TILES = CHUNK // 8
NCHUNKS = ROWS_PER_W // CHUNK
NBUF = 8
NGROUPS = NCHUNKS // NBUF
STRIPES = BATCH // 8
STRIPES_PER_W = STRIPES // NW
SROWS = 8 * NUM_FIELDS


def _gather_body(table_hbm, idx_hbm, out_hbm, idx_v, *scratch):
    rows = scratch[:NBUF]
    gsem = scratch[NBUF:2 * NBUF]
    wsem = scratch[2 * NBUF:3 * NBUF]
    wid = lax.axis_index("s") * NC + lax.axis_index("c")
    pltpu.sync_copy(idx_hbm.at[wid], idx_v)
    sbase = wid * STRIPES_PER_W

    def start_gather(j, b):
        pltpu.async_copy(
            table_hbm.at[idx_v.at[j]], rows[b].reshape(CHUNK, HIDDEN),
            gsem[b],
        )

    def wait_gather(j, b):
        pltpu.make_async_copy(
            table_hbm.at[idx_v.at[j]], rows[b].reshape(CHUNK, HIDDEN),
            gsem[b],
        ).wait()

    def out_slice(j):
        return out_hbm.at[
            sbase + j // 2, pl.ds((j % 2) * HALF_TILES, HALF_TILES)
        ]

    def start_write(j, b):
        pltpu.async_copy(rows[b], out_slice(j), wsem[b])

    def wait_write(j, b):
        pltpu.make_async_copy(rows[b], out_slice(j), wsem[b]).wait()

    for b in range(NBUF):
        start_gather(b, b)

    def group_step(g, _):
        j0 = g * NBUF
        for b in range(NBUF):
            wait_gather(j0 + b, b)
            start_write(j0 + b, b)
        for b in range(NBUF):
            wait_write(j0 + b, b)
            start_gather(j0 + NBUF + b, b)
        return ()

    lax.fori_loop(0, NGROUPS - 1, group_step, (), unroll=False)

    j0 = (NGROUPS - 1) * NBUF
    for b in range(NBUF):
        wait_gather(j0 + b, b)
        start_write(j0 + b, b)
    for b in range(NBUF):
        wait_write(j0 + b, b)


@jax.jit
def _multi_embed(flat_idx, flat_table):
    mesh = plsc.VectorSubcoreMesh(
        core_axis_name="c", subcore_axis_name="s", num_cores=NC,
        num_subcores=NS,
    )
    run = pl.kernel(
        _gather_body,
        out_type=jax.ShapeDtypeStruct(
            (STRIPES, NUM_FIELDS, 8, HIDDEN), jnp.float32
        ),
        mesh=mesh,
        scratch_types=(
            [pltpu.VMEM((NCHUNKS, CHUNK), jnp.int32)]
            + [pltpu.VMEM((HALF_TILES, 8, HIDDEN), jnp.float32)] * NBUF
            + [pltpu.SemaphoreType.DMA] * (2 * NBUF)
        ),
    )
    return run(flat_table, flat_idx)


def kernel(x_n_cat, tables):
    flat = (
        x_n_cat.astype(jnp.int32)
        + jnp.arange(NUM_FIELDS, dtype=jnp.int32)[None, :] * VOCAB
    )
    perm = flat.reshape(NW, STRIPES_PER_W, 8, NUM_FIELDS).transpose(
        0, 1, 3, 2
    )
    flat_idx = perm.reshape(NW, NCHUNKS, CHUNK)
    flat_table = tables.reshape(NUM_FIELDS * VOCAB, HIDDEN)
    out4 = _multi_embed(flat_idx, flat_table)
    return out4.transpose(0, 2, 1, 3).reshape(BATCH, NUM_FIELDS * HIDDEN)

# --- scband reference (transcript-rebuilt; emitter-appended) ---
"""Pipeline reference for scband-multi-embedding-2662879724351 (READ-ONLY COPY).

The authoritative reference and input builder live on the scoring server;
editing this copy changes nothing except your own understanding.
"""

import jax, jax.numpy as jnp
import numpy as np

NUM_FIELDS = 26
VOCAB = 100000
HIDDEN = 128
BATCH = 16384


def setup_inputs(seed: int = 0) -> dict:
    key = jax.random.key(seed)
    k_idx, k_tab = jax.random.split(key)
    x_n_cat = jax.random.randint(k_idx, (BATCH, NUM_FIELDS), 0, VOCAB, dtype=jnp.int64 if jax.config.jax_enable_x64 else jnp.int32)
    # one embedding table per field; all fields share vocab size here, so stack into one array
    tables = jax.random.normal(k_tab, (NUM_FIELDS, VOCAB, HIDDEN), dtype=jnp.float32)
    return {"x_n_cat": x_n_cat, "tables": tables}


def reference(x_n_cat, tables):
    # MultiEmbedding.forward for 2-D input: per-field embedding lookup, concat along feature dim
    embs = [jnp.take(tables[i], x_n_cat[:, i], axis=0) for i in range(NUM_FIELDS)]
    x_n_emb = jnp.concatenate(embs, axis=1)
    return x_n_emb

if __name__ == "__main__":
    import jax
    _d = setup_inputs()
    print(jax.jit(kernel)(*tuple(_d.values())))

</pallas_src>

<mosaic_0001>
#map = affine_map<(d0, d1) -> (0, 0)>
#map1 = affine_map<(d0, d1) -> (0, 0, 0)>
#map2 = affine_map<(d0, d1) -> (0, 0, 0, 0)>
module attributes {stable_mosaic.version = 14 : i64} {
  func.func @_gather_body(%arg0: i32, %arg1: i32, %arg2: memref<2600000x128xf32, #tpu.memory_space<hbm>>, %arg3: memref<32x128x104xi32, #tpu.memory_space<hbm>>, %arg4: memref<2048x26x8x128xf32, #tpu.memory_space<hbm>>, %arg5: memref<128x104xi32, #tpu.memory_space<vmem>>, %arg6: memref<13x8x128xf32, #tpu.memory_space<vmem>>, %arg7: memref<13x8x128xf32, #tpu.memory_space<vmem>>, %arg8: memref<13x8x128xf32, #tpu.memory_space<vmem>>, %arg9: memref<13x8x128xf32, #tpu.memory_space<vmem>>, %arg10: memref<13x8x128xf32, #tpu.memory_space<vmem>>, %arg11: memref<13x8x128xf32, #tpu.memory_space<vmem>>, %arg12: memref<13x8x128xf32, #tpu.memory_space<vmem>>, %arg13: memref<13x8x128xf32, #tpu.memory_space<vmem>>, %arg14: memref<!tpu.dma_semaphore, #tpu.memory_space<semaphore_mem>>, %arg15: memref<!tpu.dma_semaphore, #tpu.memory_space<semaphore_mem>>, %arg16: memref<!tpu.dma_semaphore, #tpu.memory_space<semaphore_mem>>, %arg17: memref<!tpu.dma_semaphore, #tpu.memory_space<semaphore_mem>>, %arg18: memref<!tpu.dma_semaphore, #tpu.memory_space<semaphore_mem>>, %arg19: memref<!tpu.dma_semaphore, #tpu.memory_space<semaphore_mem>>, %arg20: memref<!tpu.dma_semaphore, #tpu.memory_space<semaphore_mem>>, %arg21: memref<!tpu.dma_semaphore, #tpu.memory_space<semaphore_mem>>, %arg22: memref<!tpu.dma_semaphore, #tpu.memory_space<semaphore_mem>>, %arg23: memref<!tpu.dma_semaphore, #tpu.memory_space<semaphore_mem>>, %arg24: memref<!tpu.dma_semaphore, #tpu.memory_space<semaphore_mem>>, %arg25: memref<!tpu.dma_semaphore, #tpu.memory_space<semaphore_mem>>, %arg26: memref<!tpu.dma_semaphore, #tpu.memory_space<semaphore_mem>>, %arg27: memref<!tpu.dma_semaphore, #tpu.memory_space<semaphore_mem>>, %arg28: memref<!tpu.dma_semaphore, #tpu.memory_space<semaphore_mem>>, %arg29: memref<!tpu.dma_semaphore, #tpu.memory_space<semaphore_mem>>) attributes {dimension_semantics = [#tpu.dimension_semantics<core_parallel>, #tpu.dimension_semantics<subcore_parallel>], iteration_bounds = array<i64: 2, 16>, scalar_prefetch = 0 : i64, scratch_operands = 25 : i64, tpu.core_type = #tpu.core_type<sc_vector_subcore>, window_params = [{transform_indices = #map}, {transform_indices = #map1}, {transform_indices = #map2}]} {
    %mul3A = arith.constant 2 : i32
    %mul3A_0 = arith.muli %arg1, %mul3A : i32
    %add3A = arith.addi %mul3A_0, %arg0 : i32
    "tpu.region"() ({
      %run_scoped3A = tpu.sem_alloc : memref<!tpu.dma_semaphore, #tpu.memory_space<semaphore_mem>>
      %dma_start3A_325 = arith.constant 0 : i32
      %dma_start3A_326 = arith.constant 0 : i32
      %dma_start3A_327 = tpu.memref_slice %arg3[%add3A, %dma_start3A_325, %dma_start3A_326] : memref<32x128x104xi32, #tpu.memory_space<hbm>> -> memref<1x128x104xi32, #tpu.memory_space<hbm>>
      %dma_start3A_328 = tpu.memref_squeeze %dma_start3A_327 : memref<1x128x104xi32, #tpu.memory_space<hbm>> -> memref<128x104xi32, #tpu.memory_space<hbm>>
      %dma_start3A_329 = arith.constant 0 : i32
      %dma_start3A_330 = arith.constant 0 : i32
      %dma_start3A_331 = tpu.memref_slice %arg3[%add3A, %dma_start3A_329, %dma_start3A_330] : memref<32x128x104xi32, #tpu.memory_space<hbm>> -> memref<1x128x104xi32, #tpu.memory_space<hbm>>
      %dma_start3A_332 = tpu.memref_squeeze %dma_start3A_331 : memref<1x128x104xi32, #tpu.memory_space<hbm>> -> memref<128x104xi32, #tpu.memory_space<hbm>>
      tpu.enqueue_dma source(%dma_start3A_332 : memref<128x104xi32, #tpu.memory_space<hbm>>) target(%arg5 : memref<128x104xi32, #tpu.memory_space<vmem>>) target_semaphore(%run_scoped3A : memref<!tpu.dma_semaphore, #tpu.memory_space<semaphore_mem>>)
      %dma_wait3A_333 = arith.constant 0 : i32
      %dma_wait3A_334 = arith.constant 0 : i32
      %dma_wait3A_335 = tpu.memref_slice %arg3[%add3A, %dma_wait3A_333, %dma_wait3A_334] : memref<32x128x104xi32, #tpu.memory_space<hbm>> -> memref<1x128x104xi32, #tpu.memory_space<hbm>>
      %dma_wait3A_336 = tpu.memref_squeeze %dma_wait3A_335 : memref<1x128x104xi32, #tpu.memory_space<hbm>> -> memref<128x104xi32, #tpu.memory_space<hbm>>
      %dma_wait3A_337 = arith.constant 0 : i32
      %dma_wait3A_338 = arith.constant 0 : i32
      %dma_wait3A_339 = tpu.memref_slice %arg3[%add3A, %dma_wait3A_337, %dma_wait3A_338] : memref<32x128x104xi32, #tpu.memory_space<hbm>> -> memref<1x128x104xi32, #tpu.memory_space<hbm>>
      %dma_wait3A_340 = tpu.memref_squeeze %dma_wait3A_339 : memref<1x128x104xi32, #tpu.memory_space<hbm>> -> memref<128x104xi32, #tpu.memory_space<hbm>>
      tpu.wait_dma2 semaphore(%run_scoped3A : memref<!tpu.dma_semaphore, #tpu.memory_space<semaphore_mem>>) src(%dma_wait3A_340 : memref<128x104xi32, #tpu.memory_space<hbm>>) dst(%arg5 : memref<128x104xi32, #tpu.memory_space<vmem>>)
      tpu.yield
    }) : () -> ()
    %mul3A_1 = arith.constant 64 : i32
    %mul3A_2 = arith.muli %add3A, %mul3A_1 : i32
    %dma_start3A = arith.constant 0 : i32
    %dma_start3A_3 = tpu.memref_reshape %arg6 : memref<13x8x128xf32, #tpu.memory_space<vmem>> -> memref<104x128xf32, #tpu.memory_space<vmem>>
    %dma_start3A_4 = arith.constant 0 : i32
    %dma_start3A_5 = tpu.memref_slice %arg5[%dma_start3A, %dma_start3A_4] : memref<128x104xi32, #tpu.memory_space<vmem>> -> memref<1x104xi32, #tpu.memory_space<vmem>>
    %dma_start3A_6 = tpu.memref_squeeze %dma_start3A_5 : memref<1x104xi32, #tpu.memory_space<vmem>> -> memref<104xi32, #tpu.memory_space<vmem>>
    %dma_start3A_7 = arith.constant 0 : i32
    %dma_start3A_8 = arith.constant 0 : i32
    %dma_start3A_9 = tpu.memref_slice %arg2[%dma_start3A_7, %dma_start3A_8] : memref<2600000x128xf32, #tpu.memory_space<hbm>> -> memref<2600000x128xf32, #tpu.memory_space<hbm>>
    tpu.enqueue_indirect_dma source(%dma_start3A_9 : memref<2600000x128xf32, #tpu.memory_space<hbm>>) target(%dma_start3A_3 : memref<104x128xf32, #tpu.memory_space<vmem>>) offsets(%dma_start3A_6 : memref<104xi32, #tpu.memory_space<vmem>>) semaphore(%arg14 : memref<!tpu.dma_semaphore, #tpu.memory_space<semaphore_mem>>)
    %dma_start3A_10 = arith.constant 1 : i32
    %dma_start3A_11 = tpu.memref_reshape %arg7 : memref<13x8x128xf32, #tpu.memory_space<vmem>> -> memref<104x128xf32, #tpu.memory_space<vmem>>
    %dma_start3A_12 = arith.constant 0 : i32
    %dma_start3A_13 = tpu.memref_slice %arg5[%dma_start3A_10, %dma_start3A_12] : memref<128x104xi32, #tpu.memory_space<vmem>> -> memref<1x104xi32, #tpu.memory_space<vmem>>
    %dma_start3A_14 = tpu.memref_squeeze %dma_start3A_13 : memref<1x104xi32, #tpu.memory_space<vmem>> -> memref<104xi32, #tpu.memory_space<vmem>>
    %dma_start3A_15 = arith.constant 0 : i32
    %dma_start3A_16 = arith.constant 0 : i32
    %dma_start3A_17 = tpu.memref_slice %arg2[%dma_start3A_15, %dma_start3A_16] : memref<2600000x128xf32, #tpu.memory_space<hbm>> -> memref<2600000x128xf32, #tpu.memory_space<hbm>>
    tpu.enqueue_indirect_dma source(%dma_start3A_17 : memref<2600000x128xf32, #tpu.memory_space<hbm>>) target(%dma_start3A_11 : memref<104x128xf32, #tpu.memory_space<vmem>>) offsets(%dma_start3A_14 : memref<104xi32, #tpu.memory_space<vmem>>) semaphore(%arg15 : memref<!tpu.dma_semaphore, #tpu.memory_space<semaphore_mem>>)
    %dma_start3A_18 = arith.constant 2 : i32
    %dma_start3A_19 = tpu.memref_reshape %arg8 : memref<13x8x128xf32, #tpu.memory_space<vmem>> -> memref<104x128xf32, #tpu.memory_space<vmem>>
    %dma_start3A_20 = arith.constant 0 : i32
    %dma_start3A_21 = tpu.memref_slice %arg5[%dma_start3A_18, %dma_start3A_20] : memref<128x104xi32, #tpu.memory_space<vmem>> -> memref<1x104xi32, #tpu.memory_space<vmem>>
    %dma_start3A_22 = tpu.memref_squeeze %dma_start3A_21 : memref<1x104xi32, #tpu.memory_space<vmem>> -> memref<104xi32, #tpu.memory_space<vmem>>
    %dma_start3A_23 = arith.constant 0 : i32
    %dma_start3A_24 = arith.constant 0 : i32
    %dma_start3A_25 = tpu.memref_slice %arg2[%dma_start3A_23, %dma_start3A_24] : memref<2600000x128xf32, #tpu.memory_space<hbm>> -> memref<2600000x128xf32, #tpu.memory_space<hbm>>
    tpu.enqueue_indirect_dma source(%dma_start3A_25 : memref<2600000x128xf32, #tpu.memory_space<hbm>>) target(%dma_start3A_19 : memref<104x128xf32, #tpu.memory_space<vmem>>) offsets(%dma_start3A_22 : memref<104xi32, #tpu.memory_space<vmem>>) semaphore(%arg16 : memref<!tpu.dma_semaphore, #tpu.memory_space<semaphore_mem>>)
    %dma_start3A_26 = arith.constant 3 : i32
    %dma_start3A_27 = tpu.memref_reshape %arg9 : memref<13x8x128xf32, #tpu.memory_space<vmem>> -> memref<104x128xf32, #tpu.memory_space<vmem>>
    %dma_start3A_28 = arith.constant 0 : i32
    %dma_start3A_29 = tpu.memref_slice %arg5[%dma_start3A_26, %dma_start3A_28] : memref<128x104xi32, #tpu.memory_space<vmem>> -> memref<1x104xi32, #tpu.memory_space<vmem>>
    %dma_start3A_30 = tpu.memref_squeeze %dma_start3A_29 : memref<1x104xi32, #tpu.memory_space<vmem>> -> memref<104xi32, #tpu.memory_space<vmem>>
    %dma_start3A_31 = arith.constant 0 : i32
    %dma_start3A_32 = arith.constant 0 : i32
    %dma_start3A_33 = tpu.memref_slice %arg2[%dma_start3A_31, %dma_start3A_32] : memref<2600000x128xf32, #tpu.memory_space<hbm>> -> memref<2600000x128xf32, #tpu.memory_space<hbm>>
    tpu.enqueue_indirect_dma source(%dma_start3A_33 : memref<2600000x128xf32, #tpu.memory_space<hbm>>) target(%dma_start3A_27 : memref<104x128xf32, #tpu.memory_space<vmem>>) offsets(%dma_start3A_30 : memref<104xi32, #tpu.memory_space<vmem>>) semaphore(%arg17 : memref<!tpu.dma_semaphore, #tpu.memory_space<semaphore_mem>>)
    %dma_start3A_34 = arith.constant 4 : i32
    %dma_start3A_35 = tpu.memref_reshape %arg10 : memref<13x8x128xf32, #tpu.memory_space<vmem>> -> memref<104x128xf32, #tpu.memory_space<vmem>>
    %dma_start3A_36 = arith.constant 0 : i32
    %dma_start3A_37 = tpu.memref_slice %arg5[%dma_start3A_34, %dma_start3A_36] : memref<128x104xi32, #tpu.memory_space<vmem>> -> memref<1x104xi32, #tpu.memory_space<vmem>>
    %dma_start3A_38 = tpu.memref_squeeze %dma_start3A_37 : memref<1x104xi32, #tpu.memory_space<vmem>> -> memref<104xi32, #tpu.memory_space<vmem>>
    %dma_start3A_39 = arith.constant 0 : i32
    %dma_start3A_40 = arith.constant 0 : i32
    %dma_start3A_41 = tpu.memref_slice %arg2[%dma_start3A_39, %dma_start3A_40] : memref<2600000x128xf32, #tpu.memory_space<hbm>> -> memref<2600000x128xf32, #tpu.memory_space<hbm>>
    tpu.enqueue_indirect_dma source(%dma_start3A_41 : memref<2600000x128xf32, #tpu.memory_space<hbm>>) target(%dma_start3A_35 : memref<104x128xf32, #tpu.memory_space<vmem>>) offsets(%dma_start3A_38 : memref<104xi32, #tpu.memory_space<vmem>>) semaphore(%arg18 : memref<!tpu.dma_semaphore, #tpu.memory_space<semaphore_mem>>)
    %dma_start3A_42 = arith.constant 5 : i32
    %dma_start3A_43 = tpu.memref_reshape %arg11 : memref<13x8x128xf32, #tpu.memory_space<vmem>> -> memref<104x128xf32, #tpu.memory_space<vmem>>
    %dma_start3A_44 = arith.constant 0 : i32
    %dma_start3A_45 = tpu.memref_slice %arg5[%dma_start3A_42, %dma_start3A_44] : memref<128x104xi32, #tpu.memory_space<vmem>> -> memref<1x104xi32, #tpu.memory_space<vmem>>
    %dma_start3A_46 = tpu.memref_squeeze %dma_start3A_45 : memref<1x104xi32, #tpu.memory_space<vmem>> -> memref<104xi32, #tpu.memory_space<vmem>>
    %dma_start3A_47 = arith.constant 0 : i32
    %dma_start3A_48 = arith.constant 0 : i32
    %dma_start3A_49 = tpu.memref_slice %arg2[%dma_start3A_47, %dma_start3A_48] : memref<2600000x128xf32, #tpu.memory_space<hbm>> -> memref<2600000x128xf32, #tpu.memory_space<hbm>>
    tpu.enqueue_indirect_dma source(%dma_start3A_49 : memref<2600000x128xf32, #tpu.memory_space<hbm>>) target(%dma_start3A_43 : memref<104x128xf32, #tpu.memory_space<vmem>>) offsets(%dma_start3A_46 : memref<104xi32, #tpu.memory_space<vmem>>) semaphore(%arg19 : memref<!tpu.dma_semaphore, #tpu.memory_space<semaphore_mem>>)
    %dma_start3A_50 = arith.constant 6 : i32
    %dma_start3A_51 = tpu.memref_reshape %arg12 : memref<13x8x128xf32, #tpu.memory_space<vmem>> -> memref<104x128xf32, #tpu.memory_space<vmem>>
    %dma_start3A_52 = arith.constant 0 : i32
    %dma_start3A_53 = tpu.memref_slice %arg5[%dma_start3A_50, %dma_start3A_52] : memref<128x104xi32, #tpu.memory_space<vmem>> -> memref<1x104xi32, #tpu.memory_space<vmem>>
    %dma_start3A_54 = tpu.memref_squeeze %dma_start3A_53 : memref<1x104xi32, #tpu.memory_space<vmem>> -> memref<104xi32, #tpu.memory_space<vmem>>
    %dma_start3A_55 = arith.constant 0 : i32
    %dma_start3A_56 = arith.constant 0 : i32
    %dma_start3A_57 = tpu.memref_slice %arg2[%dma_start3A_55, %dma_start3A_56] : memref<2600000x128xf32, #tpu.memory_space<hbm>> -> memref<2600000x128xf32, #tpu.memory_space<hbm>>
    tpu.enqueue_indirect_dma source(%dma_start3A_57 : memref<2600000x128xf32, #tpu.memory_space<hbm>>) target(%dma_start3A_51 : memref<104x128xf32, #tpu.memory_space<vmem>>) offsets(%dma_start3A_54 : memref<104xi32, #tpu.memory_space<vmem>>) semaphore(%arg20 : memref<!tpu.dma_semaphore, #tpu.memory_space<semaphore_mem>>)
    %dma_start3A_58 = arith.constant 7 : i32
    %dma_start3A_59 = tpu.memref_reshape %arg13 : memref<13x8x128xf32, #tpu.memory_space<vmem>> -> memref<104x128xf32, #tpu.memory_space<vmem>>
    %dma_start3A_60 = arith.constant 0 : i32
    %dma_start3A_61 = tpu.memref_slice %arg5[%dma_start3A_58, %dma_start3A_60] : memref<128x104xi32, #tpu.memory_space<vmem>> -> memref<1x104xi32, #tpu.memory_space<vmem>>
    %dma_start3A_62 = tpu.memref_squeeze %dma_start3A_61 : memref<1x104xi32, #tpu.memory_space<vmem>> -> memref<104xi32, #tpu.memory_space<vmem>>
    %dma_start3A_63 = arith.constant 0 : i32
    %dma_start3A_64 = arith.constant 0 : i32
    %dma_start3A_65 = tpu.memref_slice %arg2[%dma_start3A_63, %dma_start3A_64] : memref<2600000x128xf32, #tpu.memory_space<hbm>> -> memref<2600000x128xf32, #tpu.memory_space<hbm>>
    tpu.enqueue_indirect_dma source(%dma_start3A_65 : memref<2600000x128xf32, #tpu.memory_space<hbm>>) target(%dma_start3A_59 : memref<104x128xf32, #tpu.memory_space<vmem>>) offsets(%dma_start3A_62 : memref<104xi32, #tpu.memory_space<vmem>>) semaphore(%arg21 : memref<!tpu.dma_semaphore, #tpu.memory_space<semaphore_mem>>)
    %scan3A = arith.constant 0 : i32
    %scan3A_66 = arith.constant 15 : i32
    %scan3A_67 = arith.addi %scan3A, %scan3A_66 : i32
    %scan3A_68 = arith.constant 1 : i32
    scf.for %scan3A_325 = %scan3A to %scan3A_67 step %scan3A_68  : i32 {
      %mul3A_326 = arith.constant 8 : i32
      %mul3A_327 = arith.muli %scan3A_325, %mul3A_326 : i32
      %add3A_328 = arith.constant 0 : i32
      %add3A_329 = arith.addi %mul3A_327, %add3A_328 : i32
      %dma_wait3A_330 = tpu.memref_reshape %arg6 : memref<13x8x128xf32, #tpu.memory_space<vmem>> -> memref<104x128xf32, #tpu.memory_space<vmem>>
      %dma_wait3A_331 = arith.constant 0 : i32
      %dma_wait3A_332 = tpu.memref_slice %arg5[%add3A_329, %dma_wait3A_331] : memref<128x104xi32, #tpu.memory_space<vmem>> -> memref<1x104xi32, #tpu.memory_space<vmem>>
      %dma_wait3A_333 = tpu.memref_squeeze %dma_wait3A_332 : memref<1x104xi32, #tpu.memory_space<vmem>> -> memref<104xi32, #tpu.memory_space<vmem>>
      %dma_wait3A_334 = arith.constant 0 : i32
      %dma_wait3A_335 = arith.constant 0 : i32
      %dma_wait3A_336 = tpu.memref_slice %arg2[%dma_wait3A_334, %dma_wait3A_335] : memref<2600000x128xf32, #tpu.memory_space<hbm>> -> memref<2600000x128xf32, #tpu.memory_space<hbm>>
      tpu.wait_indirect_dma semaphore(%arg14 : memref<!tpu.dma_semaphore, #tpu.memory_space<semaphore_mem>>) src(%dma_wait3A_336 : memref<2600000x128xf32, #tpu.memory_space<hbm>>) dst(%dma_wait3A_330 : memref<104x128xf32, #tpu.memory_space<vmem>>)
      %add3A_337 = arith.constant 0 : i32
      %add3A_338 = arith.addi %mul3A_327, %add3A_337 : i32
      %jit3A = arith.constant 2 : i32
      %div3A = arith.divsi %add3A_338, %jit3A : i32
      %sign3A = arith.constant 0 : i32
      %sign3A_339 = arith.cmpi sgt, %add3A_338, %sign3A : i32
      %sign3A_340 = arith.extui %sign3A_339 : i1 to i32
      %sign3A_341 = arith.constant 0 : i32
      %sign3A_342 = arith.cmpi slt, %add3A_338, %sign3A_341 : i32
      %sign3A_343 = arith.extui %sign3A_342 : i1 to i32
      %sign3A_344 = arith.subi %sign3A_340, %sign3A_343 : i32
      %sign3A_345 = arith.constant 0 : i32
      %sign3A_346 = arith.cmpi sgt, %jit3A, %sign3A_345 : i32
      %sign3A_347 = arith.extui %sign3A_346 : i1 to i32
      %sign3A_348 = arith.constant 0 : i32
      %sign3A_349 = arith.cmpi slt, %jit3A, %sign3A_348 : i32
      %sign3A_350 = arith.extui %sign3A_349 : i1 to i32
      %sign3A_351 = arith.subi %sign3A_347, %sign3A_350 : i32
      %ne3A = arith.cmpi ne, %sign3A_344, %sign3A_351 : i32
      %rem3A = arith.remsi %add3A_338, %jit3A : i32
      %ne3A_352 = arith.constant 0 : i32
      %ne3A_353 = arith.cmpi ne, %rem3A, %ne3A_352 : i32
      %and3A = arith.andi %ne3A, %ne3A_353 : i1
      %sub3A = arith.constant 1 : i32
      %sub3A_354 = arith.subi %div3A, %sub3A : i32
      %select_n3A = arith.select %and3A, %sub3A_354, %div3A : i32
      %add3A_355 = arith.addi %mul3A_2, %select_n3A : i32
      %jit3A_356 = arith.constant 2 : i32
      %eq3A = arith.constant 0 : i32
      %eq3A_357 = arith.cmpi eq, %jit3A_356, %eq3A : i32
      %jit3A_358 = arith.constant 1 : i32
      %select_n3A_359 = arith.select %eq3A_357, %jit3A_358, %jit3A_356 : i32
      %rem3A_360 = arith.remsi %add3A_338, %select_n3A_359 : i32
      %ne3A_361 = arith.constant 0 : i32
      %ne3A_362 = arith.cmpi ne, %rem3A_360, %ne3A_361 : i32
      %lt3A = arith.constant 0 : i32
      %lt3A_363 = arith.cmpi slt, %rem3A_360, %lt3A : i32
      %lt3A_364 = arith.constant 0 : i32
      %lt3A_365 = arith.cmpi slt, %select_n3A_359, %lt3A_364 : i32
      %ne3A_366 = arith.xori %lt3A_363, %lt3A_365 : i1
      %and3A_367 = arith.andi %ne3A_366, %ne3A_362 : i1
      %add3A_368 = arith.addi %rem3A_360, %select_n3A_359 : i32
      %select_n3A_369 = arith.select %and3A_367, %add3A_368, %rem3A_360 : i32
      %mul3A_370 = arith.constant 13 : i32
      %mul3A_371 = arith.muli %select_n3A_369, %mul3A_370 : i32
      %dma_start3A_372 = arith.constant 0 : i32
      %dma_start3A_373 = arith.constant 0 : i32
      %dma_start3A_374 = tpu.memref_slice %arg4[%add3A_355, %mul3A_371, %dma_start3A_372, %dma_start3A_373] : memref<2048x26x8x128xf32, #tpu.memory_space<hbm>> -> memref<1x13x8x128xf32, #tpu.memory_space<hbm>>
      %dma_start3A_375 = tpu.memref_squeeze %dma_start3A_374 : memref<1x13x8x128xf32, #tpu.memory_space<hbm>> -> memref<13x8x128xf32, #tpu.memory_space<hbm>>
      %dma_start3A_376 = arith.constant 0 : i32
      %dma_start3A_377 = arith.constant 0 : i32
      %dma_start3A_378 = tpu.memref_slice %arg4[%add3A_355, %mul3A_371, %dma_start3A_376, %dma_start3A_377] : memref<2048x26x8x128xf32, #tpu.memory_space<hbm>> -> memref<1x13x8x128xf32, #tpu.memory_space<hbm>>
      %dma_start3A_379 = tpu.memref_squeeze %dma_start3A_378 : memref<1x13x8x128xf32, #tpu.memory_space<hbm>> -> memref<13x8x128xf32, #tpu.memory_space<hbm>>
      tpu.enqueue_dma source(%arg6 : memref<13x8x128xf32, #tpu.memory_space<vmem>>) target(%dma_start3A_379 : memref<13x8x128xf32, #tpu.memory_space<hbm>>) target_semaphore(%arg22 : memref<!tpu.dma_semaphore, #tpu.memory_space<semaphore_mem>>)
      %add3A_380 = arith.constant 1 : i32
      %add3A_381 = arith.addi %mul3A_327, %add3A_380 : i32
      %dma_wait3A_382 = tpu.memref_reshape %arg7 : memref<13x8x128xf32, #tpu.memory_space<vmem>> -> memref<104x128xf32, #tpu.memory_space<vmem>>
      %dma_wait3A_383 = arith.constant 0 : i32
      %dma_wait3A_384 = tpu.memref_slice %arg5[%add3A_381, %dma_wait3A_383] : memref<128x104xi32, #tpu.memory_space<vmem>> -> memref<1x104xi32, #tpu.memory_space<vmem>>
      %dma_wait3A_385 = tpu.memref_squeeze %dma_wait3A_384 : memref<1x104xi32, #tpu.memory_space<vmem>> -> memref<104xi32, #tpu.memory_space<vmem>>
      %dma_wait3A_386 = arith.constant 0 : i32
      %dma_wait3A_387 = arith.constant 0 : i32
      %dma_wait3A_388 = tpu.memref_slice %arg2[%dma_wait3A_386, %dma_wait3A_387] : memref<2600000x128xf32, #tpu.memory_space<hbm>> -> memref<2600000x128xf32, #tpu.memory_space<hbm>>
      tpu.wait_indirect_dma semaphore(%arg15 : memref<!tpu.dma_semaphore, #tpu.memory_space<semaphore_mem>>) src(%dma_wait3A_388 : memref<2600000x128xf32, #tpu.memory_space<hbm>>) dst(%dma_wait3A_382 : memref<104x128xf32, #tpu.memory_space<vmem>>)
      %add3A_389 = arith.constant 1 : i32
      %add3A_390 = arith.addi %mul3A_327, %add3A_389 : i32
      %jit3A_391 = arith.constant 2 : i32
      %div3A_392 = arith.divsi %add3A_390, %jit3A_391 : i32
      %sign3A_393 = arith.constant 0 : i32
      %sign3A_394 = arith.cmpi sgt, %add3A_390, %sign3A_393 : i32
      %sign3A_395 = arith.extui %sign3A_394 : i1 to i32
      %sign3A_396 = arith.constant 0 : i32
      %sign3A_397 = arith.cmpi slt, %add3A_390, %sign3A_396 : i32
      %sign3A_398 = arith.extui %sign3A_397 : i1 to i32
      %sign3A_399 = arith.subi %sign3A_395, %sign3A_398 : i32
      %sign3A_400 = arith.constant 0 : i32
      %sign3A_401 = arith.cmpi sgt, %jit3A_391, %sign3A_400 : i32
      %sign3A_402 = arith.extui %sign3A_401 : i1 to i32
      %sign3A_403 = arith.constant 0 : i32
      %sign3A_404 = arith.cmpi slt, %jit3A_391, %sign3A_403 : i32
      %sign3A_405 = arith.extui %sign3A_404 : i1 to i32
      %sign3A_406 = arith.subi %sign3A_402, %sign3A_405 : i32
      %ne3A_407 = arith.cmpi ne, %sign3A_399, %sign3A_406 : i32
      %rem3A_408 = arith.remsi %add3A_390, %jit3A_391 : i32
      %ne3A_409 = arith.constant 0 : i32
      %ne3A_410 = arith.cmpi ne, %rem3A_408, %ne3A_409 : i32
      %and3A_411 = arith.andi %ne3A_407, %ne3A_410 : i1
      %sub3A_412 = arith.constant 1 : i32
      %sub3A_413 = arith.subi %div3A_392, %sub3A_412 : i32
      %select_n3A_414 = arith.select %and3A_411, %sub3A_413, %div3A_392 : i32
      %add3A_415 = arith.addi %mul3A_2, %select_n3A_414 : i32
      %jit3A_416 = arith.constant 2 : i32
      %eq3A_417 = arith.constant 0 : i32
      %eq3A_418 = arith.cmpi eq, %jit3A_416, %eq3A_417 : i32
      %jit3A_419 = arith.constant 1 : i32
      %select_n3A_420 = arith.select %eq3A_418, %jit3A_419, %jit3A_416 : i32
      %rem3A_421 = arith.remsi %add3A_390, %select_n3A_420 : i32
      %ne3A_422 = arith.constant 0 : i32
      %ne3A_423 = arith.cmpi ne, %rem3A_421, %ne3A_422 : i32
      %lt3A_424 = arith.constant 0 : i32
      %lt3A_425 = arith.cmpi slt, %rem3A_421, %lt3A_424 : i32
      %lt3A_426 = arith.constant 0 : i32
      %lt3A_427 = arith.cmpi slt, %select_n3A_420, %lt3A_426 : i32
      %ne3A_428 = arith.xori %lt3A_425, %lt3A_427 : i1
      %and3A_429 = arith.andi %ne3A_428, %ne3A_423 : i1
      %add3A_430 = arith.addi %rem3A_421, %select_n3A_420 : i32
      %select_n3A_431 = arith.select %and3A_429, %add3A_430, %rem3A_421 : i32
      %mul3A_432 = arith.constant 13 : i32
      %mul3A_433 = arith.muli %select_n3A_431, %mul3A_432 : i32
      %dma_start3A_434 = arith.constant 0 : i32
      %dma_start3A_435 = arith.constant 0 : i32
      %dma_start3A_436 = tpu.memref_slice %arg4[%add3A_415, %mul3A_433, %dma_start3A_434, %dma_start3A_435] : memref<2048x26x8x128xf32, #tpu.memory_space<hbm>> -> memref<1x13x8x128xf32, #tpu.memory_space<hbm>>
      %dma_start3A_437 = tpu.memref_squeeze %dma_start3A_436 : memref<1x13x8x128xf32, #tpu.memory_space<hbm>> -> memref<13x8x128xf32, #tpu.memory_space<hbm>>
      %dma_start3A_438 = arith.constant 0 : i32
      %dma_start3A_439 = arith.constant 0 : i32
      %dma_start3A_440 = tpu.memref_slice %arg4[%add3A_415, %mul3A_433, %dma_start3A_438, %dma_start3A_439] : memref<2048x26x8x128xf32, #tpu.memory_space<hbm>> -> memref<1x13x8x128xf32, #tpu.memory_space<hbm>>
      %dma_start3A_441 = tpu.memref_squeeze %dma_start3A_440 : memref<1x13x8x128xf32, #tpu.memory_space<hbm>> -> memref<13x8x128xf32, #tpu.memory_space<hbm>>
      tpu.enqueue_dma source(%arg7 : memref<13x8x128xf32, #tpu.memory_space<vmem>>) target(%dma_start3A_441 : memref<13x8x128xf32, #tpu.memory_space<hbm>>) target_semaphore(%arg23 : memref<!tpu.dma_semaphore, #tpu.memory_space<semaphore_mem>>)
      %add3A_442 = arith.constant 2 : i32
      %add3A_443 = arith.addi %mul3A_327, %add3A_442 : i32
      %dma_wait3A_444 = tpu.memref_reshape %arg8 : memref<13x8x128xf32, #tpu.memory_space<vmem>> -> memref<104x128xf32, #tpu.memory_space<vmem>>
      %dma_wait3A_445 = arith.constant 0 : i32
      %dma_wait3A_446 = tpu.memref_slice %arg5[%add3A_443, %dma_wait3A_445] : memref<128x104xi32, #tpu.memory_space<vmem>> -> memref<1x104xi32, #tpu.memory_space<vmem>>
      %dma_wait3A_447 = tpu.memref_squeeze %dma_wait3A_446 : memref<1x104xi32, #tpu.memory_space<vmem>> -> memref<104xi32, #tpu.memory_space<vmem>>
      %dma_wait3A_448 = arith.constant 0 : i32
      %dma_wait3A_449 = arith.constant 0 : i32
      %dma_wait3A_450 = tpu.memref_slice %arg2[%dma_wait3A_448, %dma_wait3A_449] : memref<2600000x128xf32, #tpu.memory_space<hbm>> -> memref<2600000x128xf32, #tpu.memory_space<hbm>>
      tpu.wait_indirect_dma semaphore(%arg16 : memref<!tpu.dma_semaphore, #tpu.memory_space<semaphore_mem>>) src(%dma_wait3A_450 : memref<2600000x128xf32, #tpu.memory_space<hbm>>) dst(%dma_wait3A_444 : memref<104x128xf32, #tpu.memory_space<vmem>>)
      %add3A_451 = arith.constant 2 : i32
      %add3A_452 = arith.addi %mul3A_327, %add3A_451 : i32
      %jit3A_453 = arith.constant 2 : i32
      %div3A_454 = arith.divsi %add3A_452, %jit3A_453 : i32
      %sign3A_455 = arith.constant 0 : i32
      %sign3A_456 = arith.cmpi sgt, %add3A_452, %sign3A_455 : i32
      %sign3A_457 = arith.extui %sign3A_456 : i1 to i32
      %sign3A_458 = arith.constant 0 : i32
      %sign3A_459 = arith.cmpi slt, %add3A_452, %sign3A_458 : i32
      %sign3A_460 = arith.extui %sign3A_459 : i1 to i32
      %sign3A_461 = arith.subi %sign3A_457, %sign3A_460 : i32
      %sign3A_462 = arith.constant 0 : i32
      %sign3A_463 = arith.cmpi sgt, %jit3A_453, %sign3A_462 : i32
      %sign3A_464 = arith.extui %sign3A_463 : i1 to i32
      %sign3A_465 = arith.constant 0 : i32
      %sign3A_466 = arith.cmpi slt, %jit3A_453, %sign3A_465 : i32
      %sign3A_467 = arith.extui %sign3A_466 : i1 to i32
      %sign3A_468 = arith.subi %sign3A_464, %sign3A_467 : i32
      %ne3A_469 = arith.cmpi ne, %sign3A_461, %sign3A_468 : i32
      %rem3A_470 = arith.remsi %add3A_452, %jit3A_453 : i32
      %ne3A_471 = arith.constant 0 : i32
      %ne3A_472 = arith.cmpi ne, %rem3A_470, %ne3A_471 : i32
      %and3A_473 = arith.andi %ne3A_469, %ne3A_472 : i1
      %sub3A_474 = arith.constant 1 : i32
      %sub3A_475 = arith.subi %div3A_454, %sub3A_474 : i32
      %select_n3A_476 = arith.select %and3A_473, %sub3A_475, %div3A_454 : i32
      %add3A_477 = arith.addi %mul3A_2, %select_n3A_476 : i32
      %jit3A_478 = arith.constant 2 : i32
      %eq3A_479 = arith.constant 0 : i32
      %eq3A_480 = arith.cmpi eq, %jit3A_478, %eq3A_479 : i32
      %jit3A_481 = arith.constant 1 : i32
      %select_n3A_482 = arith.select %eq3A_480, %jit3A_481, %jit3A_478 : i32
      %rem3A_483 = arith.remsi %add3A_452, %select_n3A_482 : i32
      %ne3A_484 = arith.constant 0 : i32
      %ne3A_485 = arith.cmpi ne, %rem3A_483, %ne3A_484 : i32
      %lt3A_486 = arith.constant 0 : i32
      %lt3A_487 = arith.cmpi slt, %rem3A_483, %lt3A_486 : i32
      %lt3A_488 = arith.constant 0 : i32
      %lt3A_489 = arith.cmpi slt, %select_n3A_482, %lt3A_488 : i32
      %ne3A_490 = arith.xori %lt3A_487, %lt3A_489 : i1
      %and3A_491 = arith.andi %ne3A_490, %ne3A_485 : i1
      %add3A_492 = arith.addi %rem3A_483, %select_n3A_482 : i32
      %select_n3A_493 = arith.select %and3A_491, %add3A_492, %rem3A_483 : i32
      %mul3A_494 = arith.constant 13 : i32
      %mul3A_495 = arith.muli %select_n3A_493, %mul3A_494 : i32
      %dma_start3A_496 = arith.constant 0 : i32
      %dma_start3A_497 = arith.constant 0 : i32
      %dma_start3A_498 = tpu.memref_slice %arg4[%add3A_477, %mul3A_495, %dma_start3A_496, %dma_start3A_497] : memref<2048x26x8x128xf32, #tpu.memory_space<hbm>> -> memref<1x13x8x128xf32, #tpu.memory_space<hbm>>
      %dma_start3A_499 = tpu.memref_squeeze %dma_start3A_498 : memref<1x13x8x128xf32, #tpu.memory_space<hbm>> -> memref<13x8x128xf32, #tpu.memory_space<hbm>>
      %dma_start3A_500 = arith.constant 0 : i32
      %dma_start3A_501 = arith.constant 0 : i32
      %dma_start3A_502 = tpu.memref_slice %arg4[%add3A_477, %mul3A_495, %dma_start3A_500, %dma_start3A_501] : memref<2048x26x8x128xf32, #tpu.memory_space<hbm>> -> memref<1x13x8x128xf32, #tpu.memory_space<hbm>>
      %dma_start3A_503 = tpu.memref_squeeze %dma_start3A_502 : memref<1x13x8x128xf32, #tpu.memory_space<hbm>> -> memref<13x8x128xf32, #tpu.memory_space<hbm>>
      tpu.enqueue_dma source(%arg8 : memref<13x8x128xf32, #tpu.memory_space<vmem>>) target(%dma_start3A_503 : memref<13x8x128xf32, #tpu.memory_space<hbm>>) target_semaphore(%arg24 : memref<!tpu.dma_semaphore, #tpu.memory_space<semaphore_mem>>)
      %add3A_504 = arith.constant 3 : i32
      %add3A_505 = arith.addi %mul3A_327, %add3A_504 : i32
      %dma_wait3A_506 = tpu.memref_reshape %arg9 : memref<13x8x128xf32, #tpu.memory_space<vmem>> -> memref<104x128xf32, #tpu.memory_space<vmem>>
      %dma_wait3A_507 = arith.constant 0 : i32
      %dma_wait3A_508 = tpu.memref_slice %arg5[%add3A_505, %dma_wait3A_507] : memref<128x104xi32, #tpu.memory_space<vmem>> -> memref<1x104xi32, #tpu.memory_space<vmem>>
      %dma_wait3A_509 = tpu.memref_squeeze %dma_wait3A_508 : memref<1x104xi32, #tpu.memory_space<vmem>> -> memref<104xi32, #tpu.memory_space<vmem>>
      %dma_wait3A_510 = arith.constant 0 : i32
      %dma_wait3A_511 = arith.constant 0 : i32
      %dma_wait3A_512 = tpu.memref_slice %arg2[%dma_wait3A_510, %dma_wait3A_511] : memref<2600000x128xf32, #tpu.memory_space<hbm>> -> memref<2600000x128xf32, #tpu.memory_space<hbm>>
      tpu.wait_indirect_dma semaphore(%arg17 : memref<!tpu.dma_semaphore, #tpu.memory_space<semaphore_mem>>) src(%dma_wait3A_512 : memref<2600000x128xf32, #tpu.memory_space<hbm>>) dst(%dma_wait3A_506 : memref<104x128xf32, #tpu.memory_space<vmem>>)
      %add3A_513 = arith.constant 3 : i32
      %add3A_514 = arith.addi %mul3A_327, %add3A_513 : i32
      %jit3A_515 = arith.constant 2 : i32
      %div3A_516 = arith.divsi %add3A_514, %jit3A_515 : i32
      %sign3A_517 = arith.constant 0 : i32
      %sign3A_518 = arith.cmpi sgt, %add3A_514, %sign3A_517 : i32
      %sign3A_519 = arith.extui %sign3A_518 : i1 to i32
      %sign3A_520 = arith.constant 0 : i32
      %sign3A_521 = arith.cmpi slt, %add3A_514, %sign3A_520 : i32
      %sign3A_522 = arith.extui %sign3A_521 : i1 to i32
      %sign3A_523 = arith.subi %sign3A_519, %sign3A_522 : i32
      %sign3A_524 = arith.constant 0 : i32
      %sign3A_525 = arith.cmpi sgt, %jit3A_515, %sign3A_524 : i32
      %sign3A_526 = arith.extui %sign3A_525 : i1 to i32
      %sign3A_527 = arith.constant 0 : i32
      %sign3A_528 = arith.cmpi slt, %jit3A_515, %sign3A_527 : i32
      %sign3A_529 = arith.extui %sign3A_528 : i1 to i32
      %sign3A_530 = arith.subi %sign3A_526, %sign3A_529 : i32
      %ne3A_531 = arith.cmpi ne, %sign3A_523, %sign3A_530 : i32
      %rem3A_532 = arith.remsi %add3A_514, %jit3A_515 : i32
      %ne3A_533 = arith.constant 0 : i32
      %ne3A_534 = arith.cmpi ne, %rem3A_532, %ne3A_533 : i32
      %and3A_535 = arith.andi %ne3A_531, %ne3A_534 : i1
      %sub3A_536 = arith.constant 1 : i32
      %sub3A_537 = arith.subi %div3A_516, %sub3A_536 : i32
      %select_n3A_538 = arith.select %and3A_535, %sub3A_537, %div3A_516 : i32
      %add3A_539 = arith.addi %mul3A_2, %select_n3A_538 : i32
      %jit3A_540 = arith.constant 2 : i32
      %eq3A_541 = arith.constant 0 : i32
      %eq3A_542 = arith.cmpi eq, %jit3A_540, %eq3A_541 : i32
      %jit3A_543 = arith.constant 1 : i32
      %select_n3A_544 = arith.select %eq3A_542, %jit3A_543, %jit3A_540 : i32
      %rem3A_545 = arith.remsi %add3A_514, %select_n3A_544 : i32
      %ne3A_546 = arith.constant 0 : i32
      %ne3A_547 = arith.cmpi ne, %rem3A_545, %ne3A_546 : i32
      %lt3A_548 = arith.constant 0 : i32
      %lt3A_549 = arith.cmpi slt, %rem3A_545, %lt3A_548 : i32
      %lt3A_550 = arith.constant 0 : i32
      %lt3A_551 = arith.cmpi slt, %select_n3A_544, %lt3A_550 : i32
      %ne3A_552 = arith.xori %lt3A_549, %lt3A_551 : i1
      %and3A_553 = arith.andi %ne3A_552, %ne3A_547 : i1
      %add3A_554 = arith.addi %rem3A_545, %select_n3A_544 : i32
      %select_n3A_555 = arith.select %and3A_553, %add3A_554, %rem3A_545 : i32
      %mul3A_556 = arith.constant 13 : i32
      %mul3A_557 = arith.muli %select_n3A_555, %mul3A_556 : i32
      %dma_start3A_558 = arith.constant 0 : i32
      %dma_start3A_559 = arith.constant 0 : i32
      %dma_start3A_560 = tpu.memref_slice %arg4[%add3A_539, %mul3A_557, %dma_start3A_558, %dma_start3A_559] : memref<2048x26x8x128xf32, #tpu.memory_space<hbm>> -> memref<1x13x8x128xf32, #tpu.memory_space<hbm>>
      %dma_start3A_561 = tpu.memref_squeeze %dma_start3A_560 : memref<1x13x8x128xf32, #tpu.memory_space<hbm>> -> memref<13x8x128xf32, #tpu.memory_space<hbm>>
      %dma_start3A_562 = arith.constant 0 : i32
      %dma_start3A_563 = arith.constant 0 : i32
      %dma_start3A_564 = tpu.memref_slice %arg4[%add3A_539, %mul3A_557, %dma_start3A_562, %dma_start3A_563] : memref<2048x26x8x128xf32, #tpu.memory_space<hbm>> -> memref<1x13x8x128xf32, #tpu.memory_space<hbm>>
      %dma_start3A_565 = tpu.memref_squeeze %dma_start3A_564 : memref<1x13x8x128xf32, #tpu.memory_space<hbm>> -> memref<13x8x128xf32, #tpu.memory_space<hbm>>
      tpu.enqueue_dma source(%arg9 : memref<13x8x128xf32, #tpu.memory_space<vmem>>) target(%dma_start3A_565 : memref<13x8x128xf32, #tpu.memory_space<hbm>>) target_semaphore(%arg25 : memref<!tpu.dma_semaphore, #tpu.memory_space<semaphore_mem>>)
      %add3A_566 = arith.constant 4 : i32
      %add3A_567 = arith.addi %mul3A_327, %add3A_566 : i32
      %dma_wait3A_568 = tpu.memref_reshape %arg10 : memref<13x8x128xf32, #tpu.memory_space<vmem>> -> memref<104x128xf32, #tpu.memory_space<vmem>>
      %dma_wait3A_569 = arith.constant 0 : i32
      %dma_wait3A_570 = tpu.memref_slice %arg5[%add3A_567, %dma_wait3A_569] : memref<128x104xi32, #tpu.memory_space<vmem>> -> memref<1x104xi32, #tpu.memory_space<vmem>>
      %dma_wait3A_571 = tpu.memref_squeeze %dma_wait3A_570 : memref<1x104xi32, #tpu.memory_space<vmem>> -> memref<104xi32, #tpu.memory_space<vmem>>
      %dma_wait3A_572 = arith.constant 0 : i32
      %dma_wait3A_573 = arith.constant 0 : i32
      %dma_wait3A_574 = tpu.memref_slice %arg2[%dma_wait3A_572, %dma_wait3A_573] : memref<2600000x128xf32, #tpu.memory_space<hbm>> -> memref<2600000x128xf32, #tpu.memory_space<hbm>>
      tpu.wait_indirect_dma semaphore(%arg18 : memref<!tpu.dma_semaphore, #tpu.memory_space<semaphore_mem>>) src(%dma_wait3A_574 : memref<2600000x128xf32, #tpu.memory_space<hbm>>) dst(%dma_wait3A_568 : memref<104x128xf32, #tpu.memory_space<vmem>>)
      %add3A_575 = arith.constant 4 : i32
      %add3A_576 = arith.addi %mul3A_327, %add3A_575 : i32
      %jit3A_577 = arith.constant 2 : i32
      %div3A_578 = arith.divsi %add3A_576, %jit3A_577 : i32
      %sign3A_579 = arith.constant 0 : i32
      %sign3A_580 = arith.cmpi sgt, %add3A_576, %sign3A_579 : i32
      %sign3A_581 = arith.extui %sign3A_580 : i1 to i32
      %sign3A_582 = arith.constant 0 : i32
      %sign3A_583 = arith.cmpi slt, %add3A_576, %sign3A_582 : i32
      %sign3A_584 = arith.extui %sign3A_583 : i1 to i32
      %sign3A_585 = arith.subi %sign3A_581, %sign3A_584 : i32
      %sign3A_586 = arith.constant 0 : i32
      %sign3A_587 = arith.cmpi sgt, %jit3A_577, %sign3A_586 : i32
      %sign3A_588 = arith.extui %sign3A_587 : i1 to i32
      %sign3A_589 = arith.constant 0 : i32
      %sign3A_590 = arith.cmpi slt, %jit3A_577, %sign3A_589 : i32
      %sign3A_591 = arith.extui %sign3A_590 : i1 to i32
      %sign3A_592 = arith.subi %sign3A_588, %sign3A_591 : i32
      %ne3A_593 = arith.cmpi ne, %sign3A_585, %sign3A_592 : i32
      %rem3A_594 = arith.remsi %add3A_576, %jit3A_577 : i32
      %ne3A_595 = arith.constant 0 : i32
      %ne3A_596 = arith.cmpi ne, %rem3A_594, %ne3A_595 : i32
      %and3A_597 = arith.andi %ne3A_593, %ne3A_596 : i1
      %sub3A_598 = arith.constant 1 : i32
      %sub3A_599 = arith.subi %div3A_578, %sub3A_598 : i32
      %select_n3A_600 = arith.select %and3A_597, %sub3A_599, %div3A_578 : i32
      %add3A_601 = arith.addi %mul3A_2, %select_n3A_600 : i32
      %jit3A_602 = arith.constant 2 : i32
      %eq3A_603 = arith.constant 0 : i32
      %eq3A_604 = arith.cmpi eq, %jit3A_602, %eq3A_603 : i32
      %jit3A_605 = arith.constant 1 : i32
      %select_n3A_606 = arith.select %eq3A_604, %jit3A_605, %jit3A_602 : i32
      %rem3A_607 = arith.remsi %add3A_576, %select_n3A_606 : i32
      %ne3A_608 = arith.constant 0 : i32
      %ne3A_609 = arith.cmpi ne, %rem3A_607, %ne3A_608 : i32
      %lt3A_610 = arith.constant 0 : i32
      %lt3A_611 = arith.cmpi slt, %rem3A_607, %lt3A_610 : i32
      %lt3A_612 = arith.constant 0 : i32
      %lt3A_613 = arith.cmpi slt, %select_n3A_606, %lt3A_612 : i32
      %ne3A_614 = arith.xori %lt3A_611, %lt3A_613 : i1
      %and3A_615 = arith.andi %ne3A_614, %ne3A_609 : i1
      %add3A_616 = arith.addi %rem3A_607, %select_n3A_606 : i32
      %select_n3A_617 = arith.select %and3A_615, %add3A_616, %rem3A_607 : i32
      %mul3A_618 = arith.constant 13 : i32
      %mul3A_619 = arith.muli %select_n3A_617, %mul3A_618 : i32
      %dma_start3A_620 = arith.constant 0 : i32
      %dma_start3A_621 = arith.constant 0 : i32
      %dma_start3A_622 = tpu.memref_slice %arg4[%add3A_601, %mul3A_619, %dma_start3A_620, %dma_start3A_621] : memref<2048x26x8x128xf32, #tpu.memory_space<hbm>> -> memref<1x13x8x128xf32, #tpu.memory_space<hbm>>
      %dma_start3A_623 = tpu.memref_squeeze %dma_start3A_622 : memref<1x13x8x128xf32, #tpu.memory_space<hbm>> -> memref<13x8x128xf32, #tpu.memory_space<hbm>>
      %dma_start3A_624 = arith.constant 0 : i32
      %dma_start3A_625 = arith.constant 0 : i32
      %dma_start3A_626 = tpu.memref_slice %arg4[%add3A_601, %mul3A_619, %dma_start3A_624, %dma_start3A_625] : memref<2048x26x8x128xf32, #tpu.memory_space<hbm>> -> memref<1x13x8x128xf32, #tpu.memory_space<hbm>>
      %dma_start3A_627 = tpu.memref_squeeze %dma_start3A_626 : memref<1x13x8x128xf32, #tpu.memory_space<hbm>> -> memref<13x8x128xf32, #tpu.memory_space<hbm>>
      tpu.enqueue_dma source(%arg10 : memref<13x8x128xf32, #tpu.memory_space<vmem>>) target(%dma_start3A_627 : memref<13x8x128xf32, #tpu.memory_space<hbm>>) target_semaphore(%arg26 : memref<!tpu.dma_semaphore, #tpu.memory_space<semaphore_mem>>)
      %add3A_628 = arith.constant 5 : i32
      %add3A_629 = arith.addi %mul3A_327, %add3A_628 : i32
      %dma_wait3A_630 = tpu.memref_reshape %arg11 : memref<13x8x128xf32, #tpu.memory_space<vmem>> -> memref<104x128xf32, #tpu.memory_space<vmem>>
      %dma_wait3A_631 = arith.constant 0 : i32
      %dma_wait3A_632 = tpu.memref_slice %arg5[%add3A_629, %dma_wait3A_631] : memref<128x104xi32, #tpu.memory_space<vmem>> -> memref<1x104xi32, #tpu.memory_space<vmem>>
      %dma_wait3A_633 = tpu.memref_squeeze %dma_wait3A_632 : memref<1x104xi32, #tpu.memory_space<vmem>> -> memref<104xi32, #tpu.memory_space<vmem>>
      %dma_wait3A_634 = arith.constant 0 : i32
      %dma_wait3A_635 = arith.constant 0 : i32
      %dma_wait3A_636 = tpu.memref_slice %arg2[%dma_wait3A_634, %dma_wait3A_635] : memref<2600000x128xf32, #tpu.memory_space<hbm>> -> memref<2600000x128xf32, #tpu.memory_space<hbm>>
      tpu.wait_indirect_dma semaphore(%arg19 : memref<!tpu.dma_semaphore, #tpu.memory_space<semaphore_mem>>) src(%dma_wait3A_636 : memref<2600000x128xf32, #tpu.memory_space<hbm>>) dst(%dma_wait3A_630 : memref<104x128xf32, #tpu.memory_space<vmem>>)
      %add3A_637 = arith.constant 5 : i32
      %add3A_638 = arith.addi %mul3A_327, %add3A_637 : i32
      %jit3A_639 = arith.constant 2 : i32
      %div3A_640 = arith.divsi %add3A_638, %jit3A_639 : i32
      %sign3A_641 = arith.constant 0 : i32
      %sign3A_642 = arith.cmpi sgt, %add3A_638, %sign3A_641 : i32
      %sign3A_643 = arith.extui %sign3A_642 : i1 to i32
      %sign3A_644 = arith.constant 0 : i32
      %sign3A_645 = arith.cmpi slt, %add3A_638, %sign3A_644 : i32
      %sign3A_646 = arith.extui %sign3A_645 : i1 to i32
      %sign3A_647 = arith.subi %sign3A_643, %sign3A_646 : i32
      %sign3A_648 = arith.constant 0 : i32
      %sign3A_649 = arith.cmpi sgt, %jit3A_639, %sign3A_648 : i32
      %sign3A_650 = arith.extui %sign3A_649 : i1 to i32
      %sign3A_651 = arith.constant 0 : i32
      %sign3A_652 = arith.cmpi slt, %jit3A_639, %sign3A_651 : i32
      %sign3A_653 = arith.extui %sign3A_652 : i1 to i32
      %sign3A_654 = arith.subi %sign3A_650, %sign3A_653 : i32
      %ne3A_655 = arith.cmpi ne, %sign3A_647, %sign3A_654 : i32
      %rem3A_656 = arith.remsi %add3A_638, %jit3A_639 : i32
      %ne3A_657 = arith.constant 0 : i32
      %ne3A_658 = arith.cmpi ne, %rem3A_656, %ne3A_657 : i32
      %and3A_659 = arith.andi %ne3A_655, %ne3A_658 : i1
      %sub3A_660 = arith.constant 1 : i32
      %sub3A_661 = arith.subi %div3A_640, %sub3A_660 : i32
      %select_n3A_662 = arith.select %and3A_659, %sub3A_661, %div3A_640 : i32
      %add3A_663 = arith.addi %mul3A_2, %select_n3A_662 : i32
      %jit3A_664 = arith.constant 2 : i32
      %eq3A_665 = arith.constant 0 : i32
      %eq3A_666 = arith.cmpi eq, %jit3A_664, %eq3A_665 : i32
      %jit3A_667 = arith.constant 1 : i32
      %select_n3A_668 = arith.select %eq3A_666, %jit3A_667, %jit3A_664 : i32
      %rem3A_669 = arith.remsi %add3A_638, %select_n3A_668 : i32
      %ne3A_670 = arith.constant 0 : i32
      %ne3A_671 = arith.cmpi ne, %rem3A_669, %ne3A_670 : i32
      %lt3A_672 = arith.constant 0 : i32
      %lt3A_673 = arith.cmpi slt, %rem3A_669, %lt3A_672 : i32
      %lt3A_674 = arith.constant 0 : i32
      %lt3A_675 = arith.cmpi slt, %select_n3A_668, %lt3A_674 : i32
      %ne3A_676 = arith.xori %lt3A_673, %lt3A_675 : i1
      %and3A_677 = arith.andi %ne3A_676, %ne3A_671 : i1
      %add3A_678 = arith.addi %rem3A_669, %select_n3A_668 : i32
      %select_n3A_679 = arith.select %and3A_677, %add3A_678, %rem3A_669 : i32
      %mul3A_680 = arith.constant 13 : i32
      %mul3A_681 = arith.muli %select_n3A_679, %mul3A_680 : i32
      %dma_start3A_682 = arith.constant 0 : i32
      %dma_start3A_683 = arith.constant 0 : i32
      %dma_start3A_684 = tpu.memref_slice %arg4[%add3A_663, %mul3A_681, %dma_start3A_682, %dma_start3A_683] : memref<2048x26x8x128xf32, #tpu.memory_space<hbm>> -> memref<1x13x8x128xf32, #tpu.memory_space<hbm>>
      %dma_start3A_685 = tpu.memref_squeeze %dma_start3A_684 : memref<1x13x8x128xf32, #tpu.memory_space<hbm>> -> memref<13x8x128xf32, #tpu.memory_space<hbm>>
      %dma_start3A_686 = arith.constant 0 : i32
      %dma_start3A_687 = arith.constant 0 : i32
      %dma_start3A_688 = tpu.memref_slice %arg4[%add3A_663, %mul3A_681, %dma_start3A_686, %dma_start3A_687] : memref<2048x26x8x128xf32, #tpu.memory_space<hbm>> -> memref<1x13x8x128xf32, #tpu.memory_space<hbm>>
      %dma_start3A_689 = tpu.memref_squeeze %dma_start3A_688 : memref<1x13x8x128xf32, #tpu.memory_space<hbm>> -> memref<13x8x128xf32, #tpu.memory_space<hbm>>
      tpu.enqueue_dma source(%arg11 : memref<13x8x128xf32, #tpu.memory_space<vmem>>) target(%dma_start3A_689 : memref<13x8x128xf32, #tpu.memory_space<hbm>>) target_semaphore(%arg27 : memref<!tpu.dma_semaphore, #tpu.memory_space<semaphore_mem>>)
      %add3A_690 = arith.constant 6 : i32
      %add3A_691 = arith.addi %mul3A_327, %add3A_690 : i32
      %dma_wait3A_692 = tpu.memref_reshape %arg12 : memref<13x8x128xf32, #tpu.memory_space<vmem>> -> memref<104x128xf32, #tpu.memory_space<vmem>>
      %dma_wait3A_693 = arith.constant 0 : i32
      %dma_wait3A_694 = tpu.memref_slice %arg5[%add3A_691, %dma_wait3A_693] : memref<128x104xi32, #tpu.memory_space<vmem>> -> memref<1x104xi32, #tpu.memory_space<vmem>>
      %dma_wait3A_695 = tpu.memref_squeeze %dma_wait3A_694 : memref<1x104xi32, #tpu.memory_space<vmem>> -> memref<104xi32, #tpu.memory_space<vmem>>
      %dma_wait3A_696 = arith.constant 0 : i32
      %dma_wait3A_697 = arith.constant 0 : i32
      %dma_wait3A_698 = tpu.memref_slice %arg2[%dma_wait3A_696, %dma_wait3A_697] : memref<2600000x128xf32, #tpu.memory_space<hbm>> -> memref<2600000x128xf32, #tpu.memory_space<hbm>>
      tpu.wait_indirect_dma semaphore(%arg20 : memref<!tpu.dma_semaphore, #tpu.memory_space<semaphore_mem>>) src(%dma_wait3A_698 : memref<2600000x128xf32, #tpu.memory_space<hbm>>) dst(%dma_wait3A_692 : memref<104x128xf32, #tpu.memory_space<vmem>>)
      %add3A_699 = arith.constant 6 : i32
      %add3A_700 = arith.addi %mul3A_327, %add3A_699 : i32
      %jit3A_701 = arith.constant 2 : i32
      %div3A_702 = arith.divsi %add3A_700, %jit3A_701 : i32
      %sign3A_703 = arith.constant 0 : i32
      %sign3A_704 = arith.cmpi sgt, %add3A_700, %sign3A_703 : i32
      %sign3A_705 = arith.extui %sign3A_704 : i1 to i32
      %sign3A_706 = arith.constant 0 : i32
      %sign3A_707 = arith.cmpi slt, %add3A_700, %sign3A_706 : i32
      %sign3A_708 = arith.extui %sign3A_707 : i1 to i32
      %sign3A_709 = arith.subi %sign3A_705, %sign3A_708 : i32
      %sign3A_710 = arith.constant 0 : i32
      %sign3A_711 = arith.cmpi sgt, %jit3A_701, %sign3A_710 : i32
      %sign3A_712 = arith.extui %sign3A_711 : i1 to i32
      %sign3A_713 = arith.constant 0 : i32
      %sign3A_714 = arith.cmpi slt, %jit3A_701, %sign3A_713 : i32
      %sign3A_715 = arith.extui %sign3A_714 : i1 to i32
      %sign3A_716 = arith.subi %sign3A_712, %sign3A_715 : i32
      %ne3A_717 = arith.cmpi ne, %sign3A_709, %sign3A_716 : i32
      %rem3A_718 = arith.remsi %add3A_700, %jit3A_701 : i32
      %ne3A_719 = arith.constant 0 : i32
      %ne3A_720 = arith.cmpi ne, %rem3A_718, %ne3A_719 : i32
      %and3A_721 = arith.andi %ne3A_717, %ne3A_720 : i1
      %sub3A_722 = arith.constant 1 : i32
      %sub3A_723 = arith.subi %div3A_702, %sub3A_722 : i32
      %select_n3A_724 = arith.select %and3A_721, %sub3A_723, %div3A_702 : i32
      %add3A_725 = arith.addi %mul3A_2, %select_n3A_724 : i32
      %jit3A_726 = arith.constant 2 : i32
      %eq3A_727 = arith.constant 0 : i32
      %eq3A_728 = arith.cmpi eq, %jit3A_726, %eq3A_727 : i32
      %jit3A_729 = arith.constant 1 : i32
      %select_n3A_730 = arith.select %eq3A_728, %jit3A_729, %jit3A_726 : i32
      %rem3A_731 = arith.remsi %add3A_700, %select_n3A_730 : i32
      %ne3A_732 = arith.constant 0 : i32
      %ne3A_733 = arith.cmpi ne, %rem3A_731, %ne3A_732 : i32
      %lt3A_734 = arith.constant 0 : i32
      %lt3A_735 = arith.cmpi slt, %rem3A_731, %lt3A_734 : i32
      %lt3A_736 = arith.constant 0 : i32
      %lt3A_737 = arith.cmpi slt, %select_n3A_730, %lt3A_736 : i32
      %ne3A_738 = arith.xori %lt3A_735, %lt3A_737 : i1
      %and3A_739 = arith.andi %ne3A_738, %ne3A_733 : i1
      %add3A_740 = arith.addi %rem3A_731, %select_n3A_730 : i32
      %select_n3A_741 = arith.select %and3A_739, %add3A_740, %rem3A_731 : i32
      %mul3A_742 = arith.constant 13 : i32
      %mul3A_743 = arith.muli %select_n3A_741, %mul3A_742 : i32
      %dma_start3A_744 = arith.constant 0 : i32
      %dma_start3A_745 = arith.constant 0 : i32
      %dma_start3A_746 = tpu.memref_slice %arg4[%add3A_725, %mul3A_743, %dma_start3A_744, %dma_start3A_745] : memref<2048x26x8x128xf32, #tpu.memory_space<hbm>> -> memref<1x13x8x128xf32, #tpu.memory_space<hbm>>
      %dma_start3A_747 = tpu.memref_squeeze %dma_start3A_746 : memref<1x13x8x128xf32, #tpu.memory_space<hbm>> -> memref<13x8x128xf32, #tpu.memory_space<hbm>>
      %dma_start3A_748 = arith.constant 0 : i32
      %dma_start3A_749 = arith.constant 0 : i32
      %dma_start3A_750 = tpu.memref_slice %arg4[%add3A_725, %mul3A_743, %dma_start3A_748, %dma_start3A_749] : memref<2048x26x8x128xf32, #tpu.memory_space<hbm>> -> memref<1x13x8x128xf32, #tpu.memory_space<hbm>>
      %dma_start3A_751 = tpu.memref_squeeze %dma_start3A_750 : memref<1x13x8x128xf32, #tpu.memory_space<hbm>> -> memref<13x8x128xf32, #tpu.memory_space<hbm>>
      tpu.enqueue_dma source(%arg12 : memref<13x8x128xf32, #tpu.memory_space<vmem>>) target(%dma_start3A_751 : memref<13x8x128xf32, #tpu.memory_space<hbm>>) target_semaphore(%arg28 : memref<!tpu.dma_semaphore, #tpu.memory_space<semaphore_mem>>)
      %add3A_752 = arith.constant 7 : i32
      %add3A_753 = arith.addi %mul3A_327, %add3A_752 : i32
      %dma_wait3A_754 = tpu.memref_reshape %arg13 : memref<13x8x128xf32, #tpu.memory_space<vmem>> -> memref<104x128xf32, #tpu.memory_space<vmem>>
      %dma_wait3A_755 = arith.constant 0 : i32
      %dma_wait3A_756 = tpu.memref_slice %arg5[%add3A_753, %dma_wait3A_755] : memref<128x104xi32, #tpu.memory_space<vmem>> -> memref<1x104xi32, #tpu.memory_space<vmem>>
      %dma_wait3A_757 = tpu.memref_squeeze %dma_wait3A_756 : memref<1x104xi32, #tpu.memory_space<vmem>> -> memref<104xi32, #tpu.memory_space<vmem>>
      %dma_wait3A_758 = arith.constant 0 : i32
      %dma_wait3A_759 = arith.constant 0 : i32
      %dma_wait3A_760 = tpu.memref_slice %arg2[%dma_wait3A_758, %dma_wait3A_759] : memref<2600000x128xf32, #tpu.memory_space<hbm>> -> memref<2600000x128xf32, #tpu.memory_space<hbm>>
      tpu.wait_indirect_dma semaphore(%arg21 : memref<!tpu.dma_semaphore, #tpu.memory_space<semaphore_mem>>) src(%dma_wait3A_760 : memref<2600000x128xf32, #tpu.memory_space<hbm>>) dst(%dma_wait3A_754 : memref<104x128xf32, #tpu.memory_space<vmem>>)
      %add3A_761 = arith.constant 7 : i32
      %add3A_762 = arith.addi %mul3A_327, %add3A_761 : i32
      %jit3A_763 = arith.constant 2 : i32
      %div3A_764 = arith.divsi %add3A_762, %jit3A_763 : i32
      %sign3A_765 = arith.constant 0 : i32
      %sign3A_766 = arith.cmpi sgt, %add3A_762, %sign3A_765 : i32
      %sign3A_767 = arith.extui %sign3A_766 : i1 to i32
      %sign3A_768 = arith.constant 0 : i32
      %sign3A_769 = arith.cmpi slt, %add3A_762, %sign3A_768 : i32
      %sign3A_770 = arith.extui %sign3A_769 : i1 to i32
      %sign3A_771 = arith.subi %sign3A_767, %sign3A_770 : i32
      %sign3A_772 = arith.constant 0 : i32
      %sign3A_773 = arith.cmpi sgt, %jit3A_763, %sign3A_772 : i32
      %sign3A_774 = arith.extui %sign3A_773 : i1 to i32
      %sign3A_775 = arith.constant 0 : i32
      %sign3A_776 = arith.cmpi slt, %jit3A_763, %sign3A_775 : i32
      %sign3A_777 = arith.extui %sign3A_776 : i1 to i32
      %sign3A_778 = arith.subi %sign3A_774, %sign3A_777 : i32
      %ne3A_779 = arith.cmpi ne, %sign3A_771, %sign3A_778 : i32
      %rem3A_780 = arith.remsi %add3A_762, %jit3A_763 : i32
      %ne3A_781 = arith.constant 0 : i32
      %ne3A_782 = arith.cmpi ne, %rem3A_780, %ne3A_781 : i32
      %and3A_783 = arith.andi %ne3A_779, %ne3A_782 : i1
      %sub3A_784 = arith.constant 1 : i32
      %sub3A_785 = arith.subi %div3A_764, %sub3A_784 : i32
      %select_n3A_786 = arith.select %and3A_783, %sub3A_785, %div3A_764 : i32
      %add3A_787 = arith.addi %mul3A_2, %select_n3A_786 : i32
      %jit3A_788 = arith.constant 2 : i32
      %eq3A_789 = arith.constant 0 : i32
      %eq3A_790 = arith.cmpi eq, %jit3A_788, %eq3A_789 : i32
      %jit3A_791 = arith.constant 1 : i32
      %select_n3A_792 = arith.select %eq3A_790, %jit3A_791, %jit3A_788 : i32
      %rem3A_793 = arith.remsi %add3A_762, %select_n3A_792 : i32
      %ne3A_794 = arith.constant 0 : i32
      %ne3A_795 = arith.cmpi ne, %rem3A_793, %ne3A_794 : i32
      %lt3A_796 = arith.constant 0 : i32
      %lt3A_797 = arith.cmpi slt, %rem3A_793, %lt3A_796 : i32
      %lt3A_798 = arith.constant 0 : i32
      %lt3A_799 = arith.cmpi slt, %select_n3A_792, %lt3A_798 : i32
      %ne3A_800 = arith.xori %lt3A_797, %lt3A_799 : i1
      %and3A_801 = arith.andi %ne3A_800, %ne3A_795 : i1
      %add3A_802 = arith.addi %rem3A_793, %select_n3A_792 : i32
      %select_n3A_803 = arith.select %and3A_801, %add3A_802, %rem3A_793 : i32
      %mul3A_804 = arith.constant 13 : i32
      %mul3A_805 = arith.muli %select_n3A_803, %mul3A_804 : i32
      %dma_start3A_806 = arith.constant 0 : i32
      %dma_start3A_807 = arith.constant 0 : i32
      %dma_start3A_808 = tpu.memref_slice %arg4[%add3A_787, %mul3A_805, %dma_start3A_806, %dma_start3A_807] : memref<2048x26x8x128xf32, #tpu.memory_space<hbm>> -> memref<1x13x8x128xf32, #tpu.memory_space<hbm>>
      %dma_start3A_809 = tpu.memref_squeeze %dma_start3A_808 : memref<1x13x8x128xf32, #tpu.memory_space<hbm>> -> memref<13x8x128xf32, #tpu.memory_space<hbm>>
      %dma_start3A_810 = arith.constant 0 : i32
      %dma_start3A_811 = arith.constant 0 : i32
      %dma_start3A_812 = tpu.memref_slice %arg4[%add3A_787, %mul3A_805, %dma_start3A_810, %dma_start3A_811] : memref<2048x26x8x128xf32, #tpu.memory_space<hbm>> -> memref<1x13x8x128xf32, #tpu.memory_space<hbm>>
      %dma_start3A_813 = tpu.memref_squeeze %dma_start3A_812 : memref<1x13x8x128xf32, #tpu.memory_space<hbm>> -> memref<13x8x128xf32, #tpu.memory_space<hbm>>
      tpu.enqueue_dma source(%arg13 : memref<13x8x128xf32, #tpu.memory_space<vmem>>) target(%dma_start3A_813 : memref<13x8x128xf32, #tpu.memory_space<hbm>>) target_semaphore(%arg29 : memref<!tpu.dma_semaphore, #tpu.memory_space<semaphore_mem>>)
      %add3A_814 = arith.constant 0 : i32
      %add3A_815 = arith.addi %mul3A_327, %add3A_814 : i32
      %jit3A_816 = arith.constant 2 : i32
      %div3A_817 = arith.divsi %add3A_815, %jit3A_816 : i32
      %sign3A_818 = arith.constant 0 : i32
      %sign3A_819 = arith.cmpi sgt, %add3A_815, %sign3A_818 : i32
      %sign3A_820 = arith.extui %sign3A_819 : i1 to i32
      %sign3A_821 = arith.constant 0 : i32
      %sign3A_822 = arith.cmpi slt, %add3A_815, %sign3A_821 : i32
      %sign3A_823 = arith.extui %sign3A_822 : i1 to i32
      %sign3A_824 = arith.subi %sign3A_820, %sign3A_823 : i32
      %sign3A_825 = arith.constant 0 : i32
      %sign3A_826 = arith.cmpi sgt, %jit3A_816, %sign3A_825 : i32
      %sign3A_827 = arith.extui %sign3A_826 : i1 to i32
      %sign3A_828 = arith.constant 0 : i32
      %sign3A_829 = arith.cmpi slt, %jit3A_816, %sign3A_828 : i32
      %sign3A_830 = arith.extui %sign3A_829 : i1 to i32
      %sign3A_831 = arith.subi %sign3A_827, %sign3A_830 : i32
      %ne3A_832 = arith.cmpi ne, %sign3A_824, %sign3A_831 : i32
      %rem3A_833 = arith.remsi %add3A_815, %jit3A_816 : i32
      %ne3A_834 = arith.constant 0 : i32
      %ne3A_835 = arith.cmpi ne, %rem3A_833, %ne3A_834 : i32
      %and3A_836 = arith.andi %ne3A_832, %ne3A_835 : i1
      %sub3A_837 = arith.constant 1 : i32
      %sub3A_838 = arith.subi %div3A_817, %sub3A_837 : i32
      %select_n3A_839 = arith.select %and3A_836, %sub3A_838, %div3A_817 : i32
      %add3A_840 = arith.addi %mul3A_2, %select_n3A_839 : i32
      %jit3A_841 = arith.constant 2 : i32
      %eq3A_842 = arith.constant 0 : i32
      %eq3A_843 = arith.cmpi eq, %jit3A_841, %eq3A_842 : i32
      %jit3A_844 = arith.constant 1 : i32
      %select_n3A_845 = arith.select %eq3A_843, %jit3A_844, %jit3A_841 : i32
      %rem3A_846 = arith.remsi %add3A_815, %select_n3A_845 : i32
      %ne3A_847 = arith.constant 0 : i32
      %ne3A_848 = arith.cmpi ne, %rem3A_846, %ne3A_847 : i32
      %lt3A_849 = arith.constant 0 : i32
      %lt3A_850 = arith.cmpi slt, %rem3A_846, %lt3A_849 : i32
      %lt3A_851 = arith.constant 0 : i32
      %lt3A_852 = arith.cmpi slt, %select_n3A_845, %lt3A_851 : i32
      %ne3A_853 = arith.xori %lt3A_850, %lt3A_852 : i1
      %and3A_854 = arith.andi %ne3A_853, %ne3A_848 : i1
      %add3A_855 = arith.addi %rem3A_846, %select_n3A_845 : i32
      %select_n3A_856 = arith.select %and3A_854, %add3A_855, %rem3A_846 : i32
      %mul3A_857 = arith.constant 13 : i32
      %mul3A_858 = arith.muli %select_n3A_856, %mul3A_857 : i32
      %dma_wait3A_859 = arith.constant 0 : i32
      %dma_wait3A_860 = arith.constant 0 : i32
      %dma_wait3A_861 = tpu.memref_slice %arg4[%add3A_840, %mul3A_858, %dma_wait3A_859, %dma_wait3A_860] : memref<2048x26x8x128xf32, #tpu.memory_space<hbm>> -> memref<1x13x8x128xf32, #tpu.memory_space<hbm>>
      %dma_wait3A_862 = tpu.memref_squeeze %dma_wait3A_861 : memref<1x13x8x128xf32, #tpu.memory_space<hbm>> -> memref<13x8x128xf32, #tpu.memory_space<hbm>>
      %dma_wait3A_863 = arith.constant 0 : i32
      %dma_wait3A_864 = arith.constant 0 : i32
      %dma_wait3A_865 = tpu.memref_slice %arg4[%add3A_840, %mul3A_858, %dma_wait3A_863, %dma_wait3A_864] : memref<2048x26x8x128xf32, #tpu.memory_space<hbm>> -> memref<1x13x8x128xf32, #tpu.memory_space<hbm>>
      %dma_wait3A_866 = tpu.memref_squeeze %dma_wait3A_865 : memref<1x13x8x128xf32, #tpu.memory_space<hbm>> -> memref<13x8x128xf32, #tpu.memory_space<hbm>>
      tpu.wait_dma2 semaphore(%arg22 : memref<!tpu.dma_semaphore, #tpu.memory_space<semaphore_mem>>) src(%arg6 : memref<13x8x128xf32, #tpu.memory_space<vmem>>) dst(%dma_wait3A_866 : memref<13x8x128xf32, #tpu.memory_space<hbm>>)
      %add3A_867 = arith.constant 8 : i32
      %add3A_868 = arith.addi %mul3A_327, %add3A_867 : i32
      %add3A_869 = arith.constant 0 : i32
      %add3A_870 = arith.addi %add3A_868, %add3A_869 : i32
      %dma_start3A_871 = tpu.memref_reshape %arg6 : memref<13x8x128xf32, #tpu.memory_space<vmem>> -> memref<104x128xf32, #tpu.memory_space<vmem>>
      %dma_start3A_872 = arith.constant 0 : i32
      %dma_start3A_873 = tpu.memref_slice %arg5[%add3A_870, %dma_start3A_872] : memref<128x104xi32, #tpu.memory_space<vmem>> -> memref<1x104xi32, #tpu.memory_space<vmem>>
      %dma_start3A_874 = tpu.memref_squeeze %dma_start3A_873 : memref<1x104xi32, #tpu.memory_space<vmem>> -> memref<104xi32, #tpu.memory_space<vmem>>
      %dma_start3A_875 = arith.constant 0 : i32
      %dma_start3A_876 = arith.constant 0 : i32
      %dma_start3A_877 = tpu.memref_slice %arg2[%dma_start3A_875, %dma_start3A_876] : memref<2600000x128xf32, #tpu.memory_space<hbm>> -> memref<2600000x128xf32, #tpu.memory_space<hbm>>
      tpu.enqueue_indirect_dma source(%dma_start3A_877 : memref<2600000x128xf32, #tpu.memory_space<hbm>>) target(%dma_start3A_871 : memref<104x128xf32, #tpu.memory_space<vmem>>) offsets(%dma_start3A_874 : memref<104xi32, #tpu.memory_space<vmem>>) semaphore(%arg14 : memref<!tpu.dma_semaphore, #tpu.memory_space<semaphore_mem>>)
      %add3A_878 = arith.constant 1 : i32
      %add3A_879 = arith.addi %mul3A_327, %add3A_878 : i32
      %jit3A_880 = arith.constant 2 : i32
      %div3A_881 = arith.divsi %add3A_879, %jit3A_880 : i32
      %sign3A_882 = arith.constant 0 : i32
      %sign3A_883 = arith.cmpi sgt, %add3A_879, %sign3A_882 : i32
      %sign3A_884 = arith.extui %sign3A_883 : i1 to i32
      %sign3A_885 = arith.constant 0 : i32
      %sign3A_886 = arith.cmpi slt, %add3A_879, %sign3A_885 : i32
      %sign3A_887 = arith.extui %sign3A_886 : i1 to i32
      %sign3A_888 = arith.subi %sign3A_884, %sign3A_887 : i32
      %sign3A_889 = arith.constant 0 : i32
      %sign3A_890 = arith.cmpi sgt, %jit3A_880, %sign3A_889 : i32
      %sign3A_891 = arith.extui %sign3A_890 : i1 to i32
      %sign3A_892 = arith.constant 0 : i32
      %sign3A_893 = arith.cmpi slt, %jit3A_880, %sign3A_892 : i32
      %sign3A_894 = arith.extui %sign3A_893 : i1 to i32
      %sign3A_895 = arith.subi %sign3A_891, %sign3A_894 : i32
      %ne3A_896 = arith.cmpi ne, %sign3A_888, %sign3A_895 : i32
      %rem3A_897 = arith.remsi %add3A_879, %jit3A_880 : i32
      %ne3A_898 = arith.constant 0 : i32
      %ne3A_899 = arith.cmpi ne, %rem3A_897, %ne3A_898 : i32
      %and3A_900 = arith.andi %ne3A_896, %ne3A_899 : i1
      %sub3A_901 = arith.constant 1 : i32
      %sub3A_902 = arith.subi %div3A_881, %sub3A_901 : i32
      %select_n3A_903 = arith.select %and3A_900, %sub3A_902, %div3A_881 : i32
      %add3A_904 = arith.addi %mul3A_2, %select_n3A_903 : i32
      %jit3A_905 = arith.constant 2 : i32
      %eq3A_906 = arith.constant 0 : i32
      %eq3A_907 = arith.cmpi eq, %jit3A_905, %eq3A_906 : i32
      %jit3A_908 = arith.constant 1 : i32
      %select_n3A_909 = arith.select %eq3A_907, %jit3A_908, %jit3A_905 : i32
      %rem3A_910 = arith.remsi %add3A_879, %select_n3A_909 : i32
      %ne3A_911 = arith.constant 0 : i32
      %ne3A_912 = arith.cmpi ne, %rem3A_910, %ne3A_911 : i32
      %lt3A_913 = arith.constant 0 : i32
      %lt3A_914 = arith.cmpi slt, %rem3A_910, %lt3A_913 : i32
      %lt3A_915 = arith.constant 0 : i32
      %lt3A_916 = arith.cmpi slt, %select_n3A_909, %lt3A_915 : i32
      %ne3A_917 = arith.xori %lt3A_914, %lt3A_916 : i1
      %and3A_918 = arith.andi %ne3A_917, %ne3A_912 : i1
      %add3A_919 = arith.addi %rem3A_910, %select_n3A_909 : i32
      %select_n3A_920 = arith.select %and3A_918, %add3A_919, %rem3A_910 : i32
      %mul3A_921 = arith.constant 13 : i32
      %mul3A_922 = arith.muli %select_n3A_920, %mul3A_921 : i32
      %dma_wait3A_923 = arith.constant 0 : i32
      %dma_wait3A_924 = arith.constant 0 : i32
      %dma_wait3A_925 = tpu.memref_slice %arg4[%add3A_904, %mul3A_922, %dma_wait3A_923, %dma_wait3A_924] : memref<2048x26x8x128xf32, #tpu.memory_space<hbm>> -> memref<1x13x8x128xf32, #tpu.memory_space<hbm>>
      %dma_wait3A_926 = tpu.memref_squeeze %dma_wait3A_925 : memref<1x13x8x128xf32, #tpu.memory_space<hbm>> -> memref<13x8x128xf32, #tpu.memory_space<hbm>>
      %dma_wait3A_927 = arith.constant 0 : i32
      %dma_wait3A_928 = arith.constant 0 : i32
      %dma_wait3A_929 = tpu.memref_slice %arg4[%add3A_904, %mul3A_922, %dma_wait3A_927, %dma_wait3A_928] : memref<2048x26x8x128xf32, #tpu.memory_space<hbm>> -> memref<1x13x8x128xf32, #tpu.memory_space<hbm>>
      %dma_wait3A_930 = tpu.memref_squeeze %dma_wait3A_929 : memref<1x13x8x128xf32, #tpu.memory_space<hbm>> -> memref<13x8x128xf32, #tpu.memory_space<hbm>>
      tpu.wait_dma2 semaphore(%arg23 : memref<!tpu.dma_semaphore, #tpu.memory_space<semaphore_mem>>) src(%arg7 : memref<13x8x128xf32, #tpu.memory_space<vmem>>) dst(%dma_wait3A_930 : memref<13x8x128xf32, #tpu.memory_space<hbm>>)
      %add3A_931 = arith.constant 8 : i32
      %add3A_932 = arith.addi %mul3A_327, %add3A_931 : i32
      %add3A_933 = arith.constant 1 : i32
      %add3A_934 = arith.addi %add3A_932, %add3A_933 : i32
      %dma_start3A_935 = tpu.memref_reshape %arg7 : memref<13x8x128xf32, #tpu.memory_space<vmem>> -> memref<104x128xf32, #tpu.memory_space<vmem>>
      %dma_start3A_936 = arith.constant 0 : i32
      %dma_start3A_937 = tpu.memref_slice %arg5[%add3A_934, %dma_start3A_936] : memref<128x104xi32, #tpu.memory_space<vmem>> -> memref<1x104xi32, #tpu.memory_space<vmem>>
      %dma_start3A_938 = tpu.memref_squeeze %dma_start3A_937 : memref<1x104xi32, #tpu.memory_space<vmem>> -> memref<104xi32, #tpu.memory_space<vmem>>
      %dma_start3A_939 = arith.constant 0 : i32
      %dma_start3A_940 = arith.constant 0 : i32
      %dma_start3A_941 = tpu.memref_slice %arg2[%dma_start3A_939, %dma_start3A_940] : memref<2600000x128xf32, #tpu.memory_space<hbm>> -> memref<2600000x128xf32, #tpu.memory_space<hbm>>
      tpu.enqueue_indirect_dma source(%dma_start3A_941 : memref<2600000x128xf32, #tpu.memory_space<hbm>>) target(%dma_start3A_935 : memref<104x128xf32, #tpu.memory_space<vmem>>) offsets(%dma_start3A_938 : memref<104xi32, #tpu.memory_space<vmem>>) semaphore(%arg15 : memref<!tpu.dma_semaphore, #tpu.memory_space<semaphore_mem>>)
      %add3A_942 = arith.constant 2 : i32
      %add3A_943 = arith.addi %mul3A_327, %add3A_942 : i32
      %jit3A_944 = arith.constant 2 : i32
      %div3A_945 = arith.divsi %add3A_943, %jit3A_944 : i32
      %sign3A_946 = arith.constant 0 : i32
      %sign3A_947 = arith.cmpi sgt, %add3A_943, %sign3A_946 : i32
      %sign3A_948 = arith.extui %sign3A_947 : i1 to i32
      %sign3A_949 = arith.constant 0 : i32
      %sign3A_950 = arith.cmpi slt, %add3A_943, %sign3A_949 : i32
      %sign3A_951 = arith.extui %sign3A_950 : i1 to i32
      %sign3A_952 = arith.subi %sign3A_948, %sign3A_951 : i32
      %sign3A_953 = arith.constant 0 : i32
      %sign3A_954 = arith.cmpi sgt, %jit3A_944, %sign3A_953 : i32
      %sign3A_955 = arith.extui %sign3A_954 : i1 to i32
      %sign3A_956 = arith.constant 0 : i32
      %sign3A_957 = arith.cmpi slt, %jit3A_944, %sign3A_956 : i32
      %sign3A_958 = arith.extui %sign3A_957 : i1 to i32
      %sign3A_959 = arith.subi %sign3A_955, %sign3A_958 : i32
      %ne3A_960 = arith.cmpi ne, %sign3A_952, %sign3A_959 : i32
      %rem3A_961 = arith.remsi %add3A_943, %jit3A_944 : i32
      %ne3A_962 = arith.constant 0 : i32
      %ne3A_963 = arith.cmpi ne, %rem3A_961, %ne3A_962 : i32
      %and3A_964 = arith.andi %ne3A_960, %ne3A_963 : i1
      %sub3A_965 = arith.constant 1 : i32
      %sub3A_966 = arith.subi %div3A_945, %sub3A_965 : i32
      %select_n3A_967 = arith.select %and3A_964, %sub3A_966, %div3A_945 : i32
      %add3A_968 = arith.addi %mul3A_2, %select_n3A_967 : i32
      %jit3A_969 = arith.constant 2 : i32
      %eq3A_970 = arith.constant 0 : i32
      %eq3A_971 = arith.cmpi eq, %jit3A_969, %eq3A_970 : i32
      %jit3A_972 = arith.constant 1 : i32
      %select_n3A_973 = arith.select %eq3A_971, %jit3A_972, %jit3A_969 : i32
      %rem3A_974 = arith.remsi %add3A_943, %select_n3A_973 : i32
      %ne3A_975 = arith.constant 0 : i32
      %ne3A_976 = arith.cmpi ne, %rem3A_974, %ne3A_975 : i32
      %lt3A_977 = arith.constant 0 : i32
      %lt3A_978 = arith.cmpi slt, %rem3A_974, %lt3A_977 : i32
      %lt3A_979 = arith.constant 0 : i32
      %lt3A_980 = arith.cmpi slt, %select_n3A_973, %lt3A_979 : i32
      %ne3A_981 = arith.xori %lt3A_978, %lt3A_980 : i1
      %and3A_982 = arith.andi %ne3A_981, %ne3A_976 : i1
      %add3A_983 = arith.addi %rem3A_974, %select_n3A_973 : i32
      %select_n3A_984 = arith.select %and3A_982, %add3A_983, %rem3A_974 : i32
      %mul3A_985 = arith.constant 13 : i32
      %mul3A_986 = arith.muli %select_n3A_984, %mul3A_985 : i32
      %dma_wait3A_987 = arith.constant 0 : i32
      %dma_wait3A_988 = arith.constant 0 : i32
      %dma_wait3A_989 = tpu.memref_slice %arg4[%add3A_968, %mul3A_986, %dma_wait3A_987, %dma_wait3A_988] : memref<2048x26x8x128xf32, #tpu.memory_space<hbm>> -> memref<1x13x8x128xf32, #tpu.memory_space<hbm>>
      %dma_wait3A_990 = tpu.memref_squeeze %dma_wait3A_989 : memref<1x13x8x128xf32, #tpu.memory_space<hbm>> -> memref<13x8x128xf32, #tpu.memory_space<hbm>>
      %dma_wait3A_991 = arith.constant 0 : i32
      %dma_wait3A_992 = arith.constant 0 : i32
      %dma_wait3A_993 = tpu.memref_slice %arg4[%add3A_968, %mul3A_986, %dma_wait3A_991, %dma_wait3A_992] : memref<2048x26x8x128xf32, #tpu.memory_space<hbm>> -> memref<1x13x8x128xf32, #tpu.memory_space<hbm>>
      %dma_wait3A_994 = tpu.memref_squeeze %dma_wait3A_993 : memref<1x13x8x128xf32, #tpu.memory_space<hbm>> -> memref<13x8x128xf32, #tpu.memory_space<hbm>>
      tpu.wait_dma2 semaphore(%arg24 : memref<!tpu.dma_semaphore, #tpu.memory_space<semaphore_mem>>) src(%arg8 : memref<13x8x128xf32, #tpu.memory_space<vmem>>) dst(%dma_wait3A_994 : memref<13x8x128xf32, #tpu.memory_space<hbm>>)
      %add3A_995 = arith.constant 8 : i32
      %add3A_996 = arith.addi %mul3A_327, %add3A_995 : i32
      %add3A_997 = arith.constant 2 : i32
      %add3A_998 = arith.addi %add3A_996, %add3A_997 : i32
      %dma_start3A_999 = tpu.memref_reshape %arg8 : memref<13x8x128xf32, #tpu.memory_space<vmem>> -> memref<104x128xf32, #tpu.memory_space<vmem>>
      %dma_start3A_1000 = arith.constant 0 : i32
      %dma_start3A_1001 = tpu.memref_slice %arg5[%add3A_998, %dma_start3A_1000] : memref<128x104xi32, #tpu.memory_space<vmem>> -> memref<1x104xi32, #tpu.memory_space<vmem>>
      %dma_start3A_1002 = tpu.memref_squeeze %dma_start3A_1001 : memref<1x104xi32, #tpu.memory_space<vmem>> -> memref<104xi32, #tpu.memory_space<vmem>>
      %dma_start3A_1003 = arith.constant 0 : i32
      %dma_start3A_1004 = arith.constant 0 : i32
      %dma_start3A_1005 = tpu.memref_slice %arg2[%dma_start3A_1003, %dma_start3A_1004] : memref<2600000x128xf32, #tpu.memory_space<hbm>> -> memref<2600000x128xf32, #tpu.memory_space<hbm>>
      tpu.enqueue_indirect_dma source(%dma_start3A_1005 : memref<2600000x128xf32, #tpu.memory_space<hbm>>) target(%dma_start3A_999 : memref<104x128xf32, #tpu.memory_space<vmem>>) offsets(%dma_start3A_1002 : memref<104xi32, #tpu.memory_space<vmem>>) semaphore(%arg16 : memref<!tpu.dma_semaphore, #tpu.memory_space<semaphore_mem>>)
      %add3A_1006 = arith.constant 3 : i32
      %add3A_1007 = arith.addi %mul3A_327, %add3A_1006 : i32
      %jit3A_1008 = arith.constant 2 : i32
      %div3A_1009 = arith.divsi %add3A_1007, %jit3A_1008 : i32
      %sign3A_1010 = arith.constant 0 : i32
      %sign3A_1011 = arith.cmpi sgt, %add3A_1007, %sign3A_1010 : i32
      %sign3A_1012 = arith.extui %sign3A_1011 : i1 to i32
      %sign3A_1013 = arith.constant 0 : i32
      %sign3A_1014 = arith.cmpi slt, %add3A_1007, %sign3A_1013 : i32
      %sign3A_1015 = arith.extui %sign3A_1014 : i1 to i32
      %sign3A_1016 = arith.subi %sign3A_1012, %sign3A_1015 : i32
      %sign3A_1017 = arith.constant 0 : i32
      %sign3A_1018 = arith.cmpi sgt, %jit3A_1008, %sign3A_1017 : i32
      %sign3A_1019 = arith.extui %sign3A_1018 : i1 to i32
      %sign3A_1020 = arith.constant 0 : i32
      %sign3A_1021 = arith.cmpi slt, %jit3A_1008, %sign3A_1020 : i32
      %sign3A_1022 = arith.extui %sign3A_1021 : i1 to i32
      %sign3A_1023 = arith.subi %sign3A_1019, %sign3A_1022 : i32
      %ne3A_1024 = arith.cmpi ne, %sign3A_1016, %sign3A_1023 : i32
      %rem3A_1025 = arith.remsi %add3A_1007, %jit3A_1008 : i32
      %ne3A_1026 = arith.constant 0 : i32
      %ne3A_1027 = arith.cmpi ne, %rem3A_1025, %ne3A_1026 : i32
      %and3A_1028 = arith.andi %ne3A_1024, %ne3A_1027 : i1
      %sub3A_1029 = arith.constant 1 : i32
      %sub3A_1030 = arith.subi %div3A_1009, %sub3A_1029 : i32
      %select_n3A_1031 = arith.select %and3A_1028, %sub3A_1030, %div3A_1009 : i32
      %add3A_1032 = arith.addi %mul3A_2, %select_n3A_1031 : i32
      %jit3A_1033 = arith.constant 2 : i32
      %eq3A_1034 = arith.constant 0 : i32
      %eq3A_1035 = arith.cmpi eq, %jit3A_1033, %eq3A_1034 : i32
      %jit3A_1036 = arith.constant 1 : i32
      %select_n3A_1037 = arith.select %eq3A_1035, %jit3A_1036, %jit3A_1033 : i32
      %rem3A_1038 = arith.remsi %add3A_1007, %select_n3A_1037 : i32
      %ne3A_1039 = arith.constant 0 : i32
      %ne3A_1040 = arith.cmpi ne, %rem3A_1038, %ne3A_1039 : i32
      %lt3A_1041 = arith.constant 0 : i32
      %lt3A_1042 = arith.cmpi slt, %rem3A_1038, %lt3A_1041 : i32
      %lt3A_1043 = arith.constant 0 : i32
      %lt3A_1044 = arith.cmpi slt, %select_n3A_1037, %lt3A_1043 : i32
      %ne3A_1045 = arith.xori %lt3A_1042, %lt3A_1044 : i1
      %and3A_1046 = arith.andi %ne3A_1045, %ne3A_1040 : i1
      %add3A_1047 = arith.addi %rem3A_1038, %select_n3A_1037 : i32
      %select_n3A_1048 = arith.select %and3A_1046, %add3A_1047, %rem3A_1038 : i32
      %mul3A_1049 = arith.constant 13 : i32
      %mul3A_1050 = arith.muli %select_n3A_1048, %mul3A_1049 : i32
      %dma_wait3A_1051 = arith.constant 0 : i32
      %dma_wait3A_1052 = arith.constant 0 : i32
      %dma_wait3A_1053 = tpu.memref_slice %arg4[%add3A_1032, %mul3A_1050, %dma_wait3A_1051, %dma_wait3A_1052] : memref<2048x26x8x128xf32, #tpu.memory_space<hbm>> -> memref<1x13x8x128xf32, #tpu.memory_space<hbm>>
      %dma_wait3A_1054 = tpu.memref_squeeze %dma_wait3A_1053 : memref<1x13x8x128xf32, #tpu.memory_space<hbm>> -> memref<13x8x128xf32, #tpu.memory_space<hbm>>
      %dma_wait3A_1055 = arith.constant 0 : i32
      %dma_wait3A_1056 = arith.constant 0 : i32
      %dma_wait3A_1057 = tpu.memref_slice %arg4[%add3A_1032, %mul3A_1050, %dma_wait3A_1055, %dma_wait3A_1056] : memref<2048x26x8x128xf32, #tpu.memory_space<hbm>> -> memref<1x13x8x128xf32, #tpu.memory_space<hbm>>
      %dma_wait3A_1058 = tpu.memref_squeeze %dma_wait3A_1057 : memref<1x13x8x128xf32, #tpu.memory_space<hbm>> -> memref<13x8x128xf32, #tpu.memory_space<hbm>>
      tpu.wait_dma2 semaphore(%arg25 : memref<!tpu.dma_semaphore, #tpu.memory_space<semaphore_mem>>) src(%arg9 : memref<13x8x128xf32, #tpu.memory_space<vmem>>) dst(%dma_wait3A_1058 : memref<13x8x128xf32, #tpu.memory_space<hbm>>)
      %add3A_1059 = arith.constant 8 : i32
      %add3A_1060 = arith.addi %mul3A_327, %add3A_1059 : i32
      %add3A_1061 = arith.constant 3 : i32
      %add3A_1062 = arith.addi %add3A_1060, %add3A_1061 : i32
      %dma_start3A_1063 = tpu.memref_reshape %arg9 : memref<13x8x128xf32, #tpu.memory_space<vmem>> -> memref<104x128xf32, #tpu.memory_space<vmem>>
      %dma_start3A_1064 = arith.constant 0 : i32
      %dma_start3A_1065 = tpu.memref_slice %arg5[%add3A_1062, %dma_start3A_1064] : memref<128x104xi32, #tpu.memory_space<vmem>> -> memref<1x104xi32, #tpu.memory_space<vmem>>
      %dma_start3A_1066 = tpu.memref_squeeze %dma_start3A_1065 : memref<1x104xi32, #tpu.memory_space<vmem>> -> memref<104xi32, #tpu.memory_space<vmem>>
      %dma_start3A_1067 = arith.constant 0 : i32
      %dma_start3A_1068 = arith.constant 0 : i32
      %dma_start3A_1069 = tpu.memref_slice %arg2[%dma_start3A_1067, %dma_start3A_1068] : memref<2600000x128xf32, #tpu.memory_space<hbm>> -> memref<2600000x128xf32, #tpu.memory_space<hbm>>
      tpu.enqueue_indirect_dma source(%dma_start3A_1069 : memref<2600000x128xf32, #tpu.memory_space<hbm>>) target(%dma_start3A_1063 : memref<104x128xf32, #tpu.memory_space<vmem>>) offsets(%dma_start3A_1066 : memref<104xi32, #tpu.memory_space<vmem>>) semaphore(%arg17 : memref<!tpu.dma_semaphore, #tpu.memory_space<semaphore_mem>>)
      %add3A_1070 = arith.constant 4 : i32
      %add3A_1071 = arith.addi %mul3A_327, %add3A_1070 : i32
      %jit3A_1072 = arith.constant 2 : i32
      %div3A_1073 = arith.divsi %add3A_1071, %jit3A_1072 : i32
      %sign3A_1074 = arith.constant 0 : i32
      %sign3A_1075 = arith.cmpi sgt, %add3A_1071, %sign3A_1074 : i32
      %sign3A_1076 = arith.extui %sign3A_1075 : i1 to i32
      %sign3A_1077 = arith.constant 0 : i32
      %sign3A_1078 = arith.cmpi slt, %add3A_1071, %sign3A_1077 : i32
      %sign3A_1079 = arith.extui %sign3A_1078 : i1 to i32
      %sign3A_1080 = arith.subi %sign3A_1076, %sign3A_1079 : i32
      %sign3A_1081 = arith.constant 0 : i32
      %sign3A_1082 = arith.cmpi sgt, %jit3A_1072, %sign3A_1081 : i32
      %sign3A_1083 = arith.extui %sign3A_1082 : i1 to i32
      %sign3A_1084 = arith.constant 0 : i32
      %sign3A_1085 = arith.cmpi slt, %jit3A_1072, %sign3A_1084 : i32
      %sign3A_1086 = arith.extui %sign3A_1085 : i1 to i32
      %sign3A_1087 = arith.subi %sign3A_1083, %sign3A_1086 : i32
      %ne3A_1088 = arith.cmpi ne, %sign3A_1080, %sign3A_1087 : i32
      %rem3A_1089 = arith.remsi %add3A_1071, %jit3A_1072 : i32
      %ne3A_1090 = arith.constant 0 : i32
      %ne3A_1091 = arith.cmpi ne, %rem3A_1089, %ne3A_1090 : i32
      %and3A_1092 = arith.andi %ne3A_1088, %ne3A_1091 : i1
      %sub3A_1093 = arith.constant 1 : i32
      %sub3A_1094 = arith.subi %div3A_1073, %sub3A_1093 : i32
      %select_n3A_1095 = arith.select %and3A_1092, %sub3A_1094, %div3A_1073 : i32
      %add3A_1096 = arith.addi %mul3A_2, %select_n3A_1095 : i32
      %jit3A_1097 = arith.constant 2 : i32
      %eq3A_1098 = arith.constant 0 : i32
      %eq3A_1099 = arith.cmpi eq, %jit3A_1097, %eq3A_1098 : i32
      %jit3A_1100 = arith.constant 1 : i32
      %select_n3A_1101 = arith.select %eq3A_1099, %jit3A_1100, %jit3A_1097 : i32
      %rem3A_1102 = arith.remsi %add3A_1071, %select_n3A_1101 : i32
      %ne3A_1103 = arith.constant 0 : i32
      %ne3A_1104 = arith.cmpi ne, %rem3A_1102, %ne3A_1103 : i32
      %lt3A_1105 = arith.constant 0 : i32
      %lt3A_1106 = arith.cmpi slt, %rem3A_1102, %lt3A_1105 : i32
      %lt3A_1107 = arith.constant 0 : i32
      %lt3A_1108 = arith.cmpi slt, %select_n3A_1101, %lt3A_1107 : i32
      %ne3A_1109 = arith.xori %lt3A_1106, %lt3A_1108 : i1
      %and3A_1110 = arith.andi %ne3A_1109, %ne3A_1104 : i1
      %add3A_1111 = arith.addi %rem3A_1102, %select_n3A_1101 : i32
      %select_n3A_1112 = arith.select %and3A_1110, %add3A_1111, %rem3A_1102 : i32
      %mul3A_1113 = arith.constant 13 : i32
      %mul3A_1114 = arith.muli %select_n3A_1112, %mul3A_1113 : i32
      %dma_wait3A_1115 = arith.constant 0 : i32
      %dma_wait3A_1116 = arith.constant 0 : i32
      %dma_wait3A_1117 = tpu.memref_slice %arg4[%add3A_1096, %mul3A_1114, %dma_wait3A_1115, %dma_wait3A_1116] : memref<2048x26x8x128xf32, #tpu.memory_space<hbm>> -> memref<1x13x8x128xf32, #tpu.memory_space<hbm>>
      %dma_wait3A_1118 = tpu.memref_squeeze %dma_wait3A_1117 : memref<1x13x8x128xf32, #tpu.memory_space<hbm>> -> memref<13x8x128xf32, #tpu.memory_space<hbm>>
      %dma_wait3A_1119 = arith.constant 0 : i32
      %dma_wait3A_1120 = arith.constant 0 : i32
      %dma_wait3A_1121 = tpu.memref_slice %arg4[%add3A_1096, %mul3A_1114, %dma_wait3A_1119, %dma_wait3A_1120] : memref<2048x26x8x128xf32, #tpu.memory_space<hbm>> -> memref<1x13x8x128xf32, #tpu.memory_space<hbm>>
      %dma_wait3A_1122 = tpu.memref_squeeze %dma_wait3A_1121 : memref<1x13x8x128xf32, #tpu.memory_space<hbm>> -> memref<13x8x128xf32, #tpu.memory_space<hbm>>
      tpu.wait_dma2 semaphore(%arg26 : memref<!tpu.dma_semaphore, #tpu.memory_space<semaphore_mem>>) src(%arg10 : memref<13x8x128xf32, #tpu.memory_space<vmem>>) dst(%dma_wait3A_1122 : memref<13x8x128xf32, #tpu.memory_space<hbm>>)
      %add3A_1123 = arith.constant 8 : i32
      %add3A_1124 = arith.addi %mul3A_327, %add3A_1123 : i32
      %add3A_1125 = arith.constant 4 : i32
      %add3A_1126 = arith.addi %add3A_1124, %add3A_1125 : i32
      %dma_start3A_1127 = tpu.memref_reshape %arg10 : memref<13x8x128xf32, #tpu.memory_space<vmem>> -> memref<104x128xf32, #tpu.memory_space<vmem>>
      %dma_start3A_1128 = arith.constant 0 : i32
      %dma_start3A_1129 = tpu.memref_slice %arg5[%add3A_1126, %dma_start3A_1128] : memref<128x104xi32, #tpu.memory_space<vmem>> -> memref<1x104xi32, #tpu.memory_space<vmem>>
      %dma_start3A_1130 = tpu.memref_squeeze %dma_start3A_1129 : memref<1x104xi32, #tpu.memory_space<vmem>> -> memref<104xi32, #tpu.memory_space<vmem>>
      %dma_start3A_1131 = arith.constant 0 : i32
      %dma_start3A_1132 = arith.constant 0 : i32
      %dma_start3A_1133 = tpu.memref_slice %arg2[%dma_start3A_1131, %dma_start3A_1132] : memref<2600000x128xf32, #tpu.memory_space<hbm>> -> memref<2600000x128xf32, #tpu.memory_space<hbm>>
      tpu.enqueue_indirect_dma source(%dma_start3A_1133 : memref<2600000x128xf32, #tpu.memory_space<hbm>>) target(%dma_start3A_1127 : memref<104x128xf32, #tpu.memory_space<vmem>>) offsets(%dma_start3A_1130 : memref<104xi32, #tpu.memory_space<vmem>>) semaphore(%arg18 : memref<!tpu.dma_semaphore, #tpu.memory_space<semaphore_mem>>)
      %add3A_1134 = arith.constant 5 : i32
      %add3A_1135 = arith.addi %mul3A_327, %add3A_1134 : i32
      %jit3A_1136 = arith.constant 2 : i32
      %div3A_1137 = arith.divsi %add3A_1135, %jit3A_1136 : i32
      %sign3A_1138 = arith.constant 0 : i32
      %sign3A_1139 = arith.cmpi sgt, %add3A_1135, %sign3A_1138 : i32
      %sign3A_1140 = arith.extui %sign3A_1139 : i1 to i32
      %sign3A_1141 = arith.constant 0 : i32
      %sign3A_1142 = arith.cmpi slt, %add3A_1135, %sign3A_1141 : i32
      %sign3A_1143 = arith.extui %sign3A_1142 : i1 to i32
      %sign3A_1144 = arith.subi %sign3A_1140, %sign3A_1143 : i32
      %sign3A_1145 = arith.constant 0 : i32
      %sign3A_1146 = arith.cmpi sgt, %jit3A_1136, %sign3A_1145 : i32
      %sign3A_1147 = arith.extui %sign3A_1146 : i1 to i32
      %sign3A_1148 = arith.constant 0 : i32
      %sign3A_1149 = arith.cmpi slt, %jit3A_1136, %sign3A_1148 : i32
      %sign3A_1150 = arith.extui %sign3A_1149 : i1 to i32
      %sign3A_1151 = arith.subi %sign3A_1147, %sign3A_1150 : i32
      %ne3A_1152 = arith.cmpi ne, %sign3A_1144, %sign3A_1151 : i32
      %rem3A_1153 = arith.remsi %add3A_1135, %jit3A_1136 : i32
      %ne3A_1154 = arith.constant 0 : i32
      %ne3A_1155 = arith.cmpi ne, %rem3A_1153, %ne3A_1154 : i32
      %and3A_1156 = arith.andi %ne3A_1152, %ne3A_1155 : i1
      %sub3A_1157 = arith.constant 1 : i32
      %sub3A_1158 = arith.subi %div3A_1137, %sub3A_1157 : i32
      %select_n3A_1159 = arith.select %and3A_1156, %sub3A_1158, %div3A_1137 : i32
      %add3A_1160 = arith.addi %mul3A_2, %select_n3A_1159 : i32
      %jit3A_1161 = arith.constant 2 : i32
      %eq3A_1162 = arith.constant 0 : i32
      %eq3A_1163 = arith.cmpi eq, %jit3A_1161, %eq3A_1162 : i32
      %jit3A_1164 = arith.constant 1 : i32
      %select_n3A_1165 = arith.select %eq3A_1163, %jit3A_1164, %jit3A_1161 : i32
      %rem3A_1166 = arith.remsi %add3A_1135, %select_n3A_1165 : i32
      %ne3A_1167 = arith.constant 0 : i32
      %ne3A_1168 = arith.cmpi ne, %rem3A_1166, %ne3A_1167 : i32
      %lt3A_1169 = arith.constant 0 : i32
      %lt3A_1170 = arith.cmpi slt, %rem3A_1166, %lt3A_1169 : i32
      %lt3A_1171 = arith.constant 0 : i32
      %lt3A_1172 = arith.cmpi slt, %select_n3A_1165, %lt3A_1171 : i32
      %ne3A_1173 = arith.xori %lt3A_1170, %lt3A_1172 : i1
      %and3A_1174 = arith.andi %ne3A_1173, %ne3A_1168 : i1
      %add3A_1175 = arith.addi %rem3A_1166, %select_n3A_1165 : i32
      %select_n3A_1176 = arith.select %and3A_1174, %add3A_1175, %rem3A_1166 : i32
      %mul3A_1177 = arith.constant 13 : i32
      %mul3A_1178 = arith.muli %select_n3A_1176, %mul3A_1177 : i32
      %dma_wait3A_1179 = arith.constant 0 : i32
      %dma_wait3A_1180 = arith.constant 0 : i32
      %dma_wait3A_1181 = tpu.memref_slice %arg4[%add3A_1160, %mul3A_1178, %dma_wait3A_1179, %dma_wait3A_1180] : memref<2048x26x8x128xf32, #tpu.memory_space<hbm>> -> memref<1x13x8x128xf32, #tpu.memory_space<hbm>>
      %dma_wait3A_1182 = tpu.memref_squeeze %dma_wait3A_1181 : memref<1x13x8x128xf32, #tpu.memory_space<hbm>> -> memref<13x8x128xf32, #tpu.memory_space<hbm>>
      %dma_wait3A_1183 = arith.constant 0 : i32
      %dma_wait3A_1184 = arith.constant 0 : i32
      %dma_wait3A_1185 = tpu.memref_slice %arg4[%add3A_1160, %mul3A_1178, %dma_wait3A_1183, %dma_wait3A_1184] : memref<2048x26x8x128xf32, #tpu.memory_space<hbm>> -> memref<1x13x8x128xf32, #tpu.memory_space<hbm>>
      %dma_wait3A_1186 = tpu.memref_squeeze %dma_wait3A_1185 : memref<1x13x8x128xf32, #tpu.memory_space<hbm>> -> memref<13x8x128xf32, #tpu.memory_space<hbm>>
      tpu.wait_dma2 semaphore(%arg27 : memref<!tpu.dma_semaphore, #tpu.memory_space<semaphore_mem>>) src(%arg11 : memref<13x8x128xf32, #tpu.memory_space<vmem>>) dst(%dma_wait3A_1186 : memref<13x8x128xf32, #tpu.memory_space<hbm>>)
      %add3A_1187 = arith.constant 8 : i32
      %add3A_1188 = arith.addi %mul3A_327, %add3A_1187 : i32
      %add3A_1189 = arith.constant 5 : i32
      %add3A_1190 = arith.addi %add3A_1188, %add3A_1189 : i32
      %dma_start3A_1191 = tpu.memref_reshape %arg11 : memref<13x8x128xf32, #tpu.memory_space<vmem>> -> memref<104x128xf32, #tpu.memory_space<vmem>>
      %dma_start3A_1192 = arith.constant 0 : i32
      %dma_start3A_1193 = tpu.memref_slice %arg5[%add3A_1190, %dma_start3A_1192] : memref<128x104xi32, #tpu.memory_space<vmem>> -> memref<1x104xi32, #tpu.memory_space<vmem>>
      %dma_start3A_1194 = tpu.memref_squeeze %dma_start3A_1193 : memref<1x104xi32, #tpu.memory_space<vmem>> -> memref<104xi32, #tpu.memory_space<vmem>>
      %dma_start3A_1195 = arith.constant 0 : i32
      %dma_start3A_1196 = arith.constant 0 : i32
      %dma_start3A_1197 = tpu.memref_slice %arg2[%dma_start3A_1195, %dma_start3A_1196] : memref<2600000x128xf32, #tpu.memory_space<hbm>> -> memref<2600000x128xf32, #tpu.memory_space<hbm>>
      tpu.enqueue_indirect_dma source(%dma_start3A_1197 : memref<2600000x128xf32, #tpu.memory_space<hbm>>) target(%dma_start3A_1191 : memref<104x128xf32, #tpu.memory_space<vmem>>) offsets(%dma_start3A_1194 : memref<104xi32, #tpu.memory_space<vmem>>) semaphore(%arg19 : memref<!tpu.dma_semaphore, #tpu.memory_space<semaphore_mem>>)
      %add3A_1198 = arith.constant 6 : i32
      %add3A_1199 = arith.addi %mul3A_327, %add3A_1198 : i32
      %jit3A_1200 = arith.constant 2 : i32
      %div3A_1201 = arith.divsi %add3A_1199, %jit3A_1200 : i32
      %sign3A_1202 = arith.constant 0 : i32
      %sign3A_1203 = arith.cmpi sgt, %add3A_1199, %sign3A_1202 : i32
      %sign3A_1204 = arith.extui %sign3A_1203 : i1 to i32
      %sign3A_1205 = arith.constant 0 : i32
      %sign3A_1206 = arith.cmpi slt, %add3A_1199, %sign3A_1205 : i32
      %sign3A_1207 = arith.extui %sign3A_1206 : i1 to i32
      %sign3A_1208 = arith.subi %sign3A_1204, %sign3A_1207 : i32
      %sign3A_1209 = arith.constant 0 : i32
      %sign3A_1210 = arith.cmpi sgt, %jit3A_1200, %sign3A_1209 : i32
      %sign3A_1211 = arith.extui %sign3A_1210 : i1 to i32
      %sign3A_1212 = arith.constant 0 : i32
      %sign3A_1213 = arith.cmpi slt, %jit3A_1200, %sign3A_1212 : i32
      %sign3A_1214 = arith.extui %sign3A_1213 : i1 to i32
      %sign3A_1215 = arith.subi %sign3A_1211, %sign3A_1214 : i32
      %ne3A_1216 = arith.cmpi ne, %sign3A_1208, %sign3A_1215 : i32
      %rem3A_1217 = arith.remsi %add3A_1199, %jit3A_1200 : i32
      %ne3A_1218 = arith.constant 0 : i32
      %ne3A_1219 = arith.cmpi ne, %rem3A_1217, %ne3A_1218 : i32
      %and3A_1220 = arith.andi %ne3A_1216, %ne3A_1219 : i1
      %sub3A_1221 = arith.constant 1 : i32
      %sub3A_1222 = arith.subi %div3A_1201, %sub3A_1221 : i32
      %select_n3A_1223 = arith.select %and3A_1220, %sub3A_1222, %div3A_1201 : i32
      %add3A_1224 = arith.addi %mul3A_2, %select_n3A_1223 : i32
      %jit3A_1225 = arith.constant 2 : i32
      %eq3A_1226 = arith.constant 0 : i32
      %eq3A_1227 = arith.cmpi eq, %jit3A_1225, %eq3A_1226 : i32
      %jit3A_1228 = arith.constant 1 : i32
      %select_n3A_1229 = arith.select %eq3A_1227, %jit3A_1228, %jit3A_1225 : i32
      %rem3A_1230 = arith.remsi %add3A_1199, %select_n3A_1229 : i32
      %ne3A_1231 = arith.constant 0 : i32
      %ne3A_1232 = arith.cmpi ne, %rem3A_1230, %ne3A_1231 : i32
      %lt3A_1233 = arith.constant 0 : i32
      %lt3A_1234 = arith.cmpi slt, %rem3A_1230, %lt3A_1233 : i32
      %lt3A_1235 = arith.constant 0 : i32
      %lt3A_1236 = arith.cmpi slt, %select_n3A_1229, %lt3A_1235 : i32
      %ne3A_1237 = arith.xori %lt3A_1234, %lt3A_1236 : i1
      %and3A_1238 = arith.andi %ne3A_1237, %ne3A_1232 : i1
      %add3A_1239 = arith.addi %rem3A_1230, %select_n3A_1229 : i32
      %select_n3A_1240 = arith.select %and3A_1238, %add3A_1239, %rem3A_1230 : i32
      %mul3A_1241 = arith.constant 13 : i32
      %mul3A_1242 = arith.muli %select_n3A_1240, %mul3A_1241 : i32
      %dma_wait3A_1243 = arith.constant 0 : i32
      %dma_wait3A_1244 = arith.constant 0 : i32
      %dma_wait3A_1245 = tpu.memref_slice %arg4[%add3A_1224, %mul3A_1242, %dma_wait3A_1243, %dma_wait3A_1244] : memref<2048x26x8x128xf32, #tpu.memory_space<hbm>> -> memref<1x13x8x128xf32, #tpu.memory_space<hbm>>
      %dma_wait3A_1246 = tpu.memref_squeeze %dma_wait3A_1245 : memref<1x13x8x128xf32, #tpu.memory_space<hbm>> -> memref<13x8x128xf32, #tpu.memory_space<hbm>>
      %dma_wait3A_1247 = arith.constant 0 : i32
      %dma_wait3A_1248 = arith.constant 0 : i32
      %dma_wait3A_1249 = tpu.memref_slice %arg4[%add3A_1224, %mul3A_1242, %dma_wait3A_1247, %dma_wait3A_1248] : memref<2048x26x8x128xf32, #tpu.memory_space<hbm>> -> memref<1x13x8x128xf32, #tpu.memory_space<hbm>>
      %dma_wait3A_1250 = tpu.memref_squeeze %dma_wait3A_1249 : memref<1x13x8x128xf32, #tpu.memory_space<hbm>> -> memref<13x8x128xf32, #tpu.memory_space<hbm>>
      tpu.wait_dma2 semaphore(%arg28 : memref<!tpu.dma_semaphore, #tpu.memory_space<semaphore_mem>>) src(%arg12 : memref<13x8x128xf32, #tpu.memory_space<vmem>>) dst(%dma_wait3A_1250 : memref<13x8x128xf32, #tpu.memory_space<hbm>>)
      %add3A_1251 = arith.constant 8 : i32
      %add3A_1252 = arith.addi %mul3A_327, %add3A_1251 : i32
      %add3A_1253 = arith.constant 6 : i32
      %add3A_1254 = arith.addi %add3A_1252, %add3A_1253 : i32
      %dma_start3A_1255 = tpu.memref_reshape %arg12 : memref<13x8x128xf32, #tpu.memory_space<vmem>> -> memref<104x128xf32, #tpu.memory_space<vmem>>
      %dma_start3A_1256 = arith.constant 0 : i32
      %dma_start3A_1257 = tpu.memref_slice %arg5[%add3A_1254, %dma_start3A_1256] : memref<128x104xi32, #tpu.memory_space<vmem>> -> memref<1x104xi32, #tpu.memory_space<vmem>>
      %dma_start3A_1258 = tpu.memref_squeeze %dma_start3A_1257 : memref<1x104xi32, #tpu.memory_space<vmem>> -> memref<104xi32, #tpu.memory_space<vmem>>
      %dma_start3A_1259 = arith.constant 0 : i32
      %dma_start3A_1260 = arith.constant 0 : i32
      %dma_start3A_1261 = tpu.memref_slice %arg2[%dma_start3A_1259, %dma_start3A_1260] : memref<2600000x128xf32, #tpu.memory_space<hbm>> -> memref<2600000x128xf32, #tpu.memory_space<hbm>>
      tpu.enqueue_indirect_dma source(%dma_start3A_1261 : memref<2600000x128xf32, #tpu.memory_space<hbm>>) target(%dma_start3A_1255 : memref<104x128xf32, #tpu.memory_space<vmem>>) offsets(%dma_start3A_1258 : memref<104xi32, #tpu.memory_space<vmem>>) semaphore(%arg20 : memref<!tpu.dma_semaphore, #tpu.memory_space<semaphore_mem>>)
      %add3A_1262 = arith.constant 7 : i32
      %add3A_1263 = arith.addi %mul3A_327, %add3A_1262 : i32
      %jit3A_1264 = arith.constant 2 : i32
      %div3A_1265 = arith.divsi %add3A_1263, %jit3A_1264 : i32
      %sign3A_1266 = arith.constant 0 : i32
      %sign3A_1267 = arith.cmpi sgt, %add3A_1263, %sign3A_1266 : i32
      %sign3A_1268 = arith.extui %sign3A_1267 : i1 to i32
      %sign3A_1269 = arith.constant 0 : i32
      %sign3A_1270 = arith.cmpi slt, %add3A_1263, %sign3A_1269 : i32
      %sign3A_1271 = arith.extui %sign3A_1270 : i1 to i32
      %sign3A_1272 = arith.subi %sign3A_1268, %sign3A_1271 : i32
      %sign3A_1273 = arith.constant 0 : i32
      %sign3A_1274 = arith.cmpi sgt, %jit3A_1264, %sign3A_1273 : i32
      %sign3A_1275 = arith.extui %sign3A_1274 : i1 to i32
      %sign3A_1276 = arith.constant 0 : i32
      %sign3A_1277 = arith.cmpi slt, %jit3A_1264, %sign3A_1276 : i32
      %sign3A_1278 = arith.extui %sign3A_1277 : i1 to i32
      %sign3A_1279 = arith.subi %sign3A_1275, %sign3A_1278 : i32
      %ne3A_1280 = arith.cmpi ne, %sign3A_1272, %sign3A_1279 : i32
      %rem3A_1281 = arith.remsi %add3A_1263, %jit3A_1264 : i32
      %ne3A_1282 = arith.constant 0 : i32
      %ne3A_1283 = arith.cmpi ne, %rem3A_1281, %ne3A_1282 : i32
      %and3A_1284 = arith.andi %ne3A_1280, %ne3A_1283 : i1
      %sub3A_1285 = arith.constant 1 : i32
      %sub3A_1286 = arith.subi %div3A_1265, %sub3A_1285 : i32
      %select_n3A_1287 = arith.select %and3A_1284, %sub3A_1286, %div3A_1265 : i32
      %add3A_1288 = arith.addi %mul3A_2, %select_n3A_1287 : i32
      %jit3A_1289 = arith.constant 2 : i32
      %eq3A_1290 = arith.constant 0 : i32
      %eq3A_1291 = arith.cmpi eq, %jit3A_1289, %eq3A_1290 : i32
      %jit3A_1292 = arith.constant 1 : i32
      %select_n3A_1293 = arith.select %eq3A_1291, %jit3A_1292, %jit3A_1289 : i32
      %rem3A_1294 = arith.remsi %add3A_1263, %select_n3A_1293 : i32
      %ne3A_1295 = arith.constant 0 : i32
      %ne3A_1296 = arith.cmpi ne, %rem3A_1294, %ne3A_1295 : i32
      %lt3A_1297 = arith.constant 0 : i32
      %lt3A_1298 = arith.cmpi slt, %rem3A_1294, %lt3A_1297 : i32
      %lt3A_1299 = arith.constant 0 : i32
      %lt3A_1300 = arith.cmpi slt, %select_n3A_1293, %lt3A_1299 : i32
      %ne3A_1301 = arith.xori %lt3A_1298, %lt3A_1300 : i1
      %and3A_1302 = arith.andi %ne3A_1301, %ne3A_1296 : i1
      %add3A_1303 = arith.addi %rem3A_1294, %select_n3A_1293 : i32
      %select_n3A_1304 = arith.select %and3A_1302, %add3A_1303, %rem3A_1294 : i32
      %mul3A_1305 = arith.constant 13 : i32
      %mul3A_1306 = arith.muli %select_n3A_1304, %mul3A_1305 : i32
      %dma_wait3A_1307 = arith.constant 0 : i32
      %dma_wait3A_1308 = arith.constant 0 : i32
      %dma_wait3A_1309 = tpu.memref_slice %arg4[%add3A_1288, %mul3A_1306, %dma_wait3A_1307, %dma_wait3A_1308] : memref<2048x26x8x128xf32, #tpu.memory_space<hbm>> -> memref<1x13x8x128xf32, #tpu.memory_space<hbm>>
      %dma_wait3A_1310 = tpu.memref_squeeze %dma_wait3A_1309 : memref<1x13x8x128xf32, #tpu.memory_space<hbm>> -> memref<13x8x128xf32, #tpu.memory_space<hbm>>
      %dma_wait3A_1311 = arith.constant 0 : i32
      %dma_wait3A_1312 = arith.constant 0 : i32
      %dma_wait3A_1313 = tpu.memref_slice %arg4[%add3A_1288, %mul3A_1306, %dma_wait3A_1311, %dma_wait3A_1312] : memref<2048x26x8x128xf32, #tpu.memory_space<hbm>> -> memref<1x13x8x128xf32, #tpu.memory_space<hbm>>
      %dma_wait3A_1314 = tpu.memref_squeeze %dma_wait3A_1313 : memref<1x13x8x128xf32, #tpu.memory_space<hbm>> -> memref<13x8x128xf32, #tpu.memory_space<hbm>>
      tpu.wait_dma2 semaphore(%arg29 : memref<!tpu.dma_semaphore, #tpu.memory_space<semaphore_mem>>) src(%arg13 : memref<13x8x128xf32, #tpu.memory_space<vmem>>) dst(%dma_wait3A_1314 : memref<13x8x128xf32, #tpu.memory_space<hbm>>)
      %add3A_1315 = arith.constant 8 : i32
      %add3A_1316 = arith.addi %mul3A_327, %add3A_1315 : i32
      %add3A_1317 = arith.constant 7 : i32
      %add3A_1318 = arith.addi %add3A_1316, %add3A_1317 : i32
      %dma_start3A_1319 = tpu.memref_reshape %arg13 : memref<13x8x128xf32, #tpu.memory_space<vmem>> -> memref<104x128xf32, #tpu.memory_space<vmem>>
      %dma_start3A_1320 = arith.constant 0 : i32
      %dma_start3A_1321 = tpu.memref_slice %arg5[%add3A_1318, %dma_start3A_1320] : memref<128x104xi32, #tpu.memory_space<vmem>> -> memref<1x104xi32, #tpu.memory_space<vmem>>
      %dma_start3A_1322 = tpu.memref_squeeze %dma_start3A_1321 : memref<1x104xi32, #tpu.memory_space<vmem>> -> memref<104xi32, #tpu.memory_space<vmem>>
      %dma_start3A_1323 = arith.constant 0 : i32
      %dma_start3A_1324 = arith.constant 0 : i32
      %dma_start3A_1325 = tpu.memref_slice %arg2[%dma_start3A_1323, %dma_start3A_1324] : memref<2600000x128xf32, #tpu.memory_space<hbm>> -> memref<2600000x128xf32, #tpu.memory_space<hbm>>
      tpu.enqueue_indirect_dma source(%dma_start3A_1325 : memref<2600000x128xf32, #tpu.memory_space<hbm>>) target(%dma_start3A_1319 : memref<104x128xf32, #tpu.memory_space<vmem>>) offsets(%dma_start3A_1322 : memref<104xi32, #tpu.memory_space<vmem>>) semaphore(%arg21 : memref<!tpu.dma_semaphore, #tpu.memory_space<semaphore_mem>>)
    }
    %scan3A_69 = arith.constant 15 : i32
    %dma_wait3A = arith.constant 120 : i32
    %dma_wait3A_70 = tpu.memref_reshape %arg6 : memref<13x8x128xf32, #tpu.memory_space<vmem>> -> memref<104x128xf32, #tpu.memory_space<vmem>>
    %dma_wait3A_71 = arith.constant 0 : i32
    %dma_wait3A_72 = tpu.memref_slice %arg5[%dma_wait3A, %dma_wait3A_71] : memref<128x104xi32, #tpu.memory_space<vmem>> -> memref<1x104xi32, #tpu.memory_space<vmem>>
    %dma_wait3A_73 = tpu.memref_squeeze %dma_wait3A_72 : memref<1x104xi32, #tpu.memory_space<vmem>> -> memref<104xi32, #tpu.memory_space<vmem>>
    %dma_wait3A_74 = arith.constant 0 : i32
    %dma_wait3A_75 = arith.constant 0 : i32
    %dma_wait3A_76 = tpu.memref_slice %arg2[%dma_wait3A_74, %dma_wait3A_75] : memref<2600000x128xf32, #tpu.memory_space<hbm>> -> memref<2600000x128xf32, #tpu.memory_space<hbm>>
    tpu.wait_indirect_dma semaphore(%arg14 : memref<!tpu.dma_semaphore, #tpu.memory_space<semaphore_mem>>) src(%dma_wait3A_76 : memref<2600000x128xf32, #tpu.memory_space<hbm>>) dst(%dma_wait3A_70 : memref<104x128xf32, #tpu.memory_space<vmem>>)
    %add3A_77 = arith.constant 60 : i32
    %add3A_78 = arith.addi %mul3A_2, %add3A_77 : i32
    %dma_start3A_79 = arith.constant 0 : i32
    %dma_start3A_80 = arith.constant 0 : i32
    %dma_start3A_81 = arith.constant 0 : i32
    %dma_start3A_82 = tpu.memref_slice %arg4[%add3A_78, %dma_start3A_79, %dma_start3A_80, %dma_start3A_81] : memref<2048x26x8x128xf32, #tpu.memory_space<hbm>> -> memref<1x13x8x128xf32, #tpu.memory_space<hbm>>
    %dma_start3A_83 = tpu.memref_squeeze %dma_start3A_82 : memref<1x13x8x128xf32, #tpu.memory_space<hbm>> -> memref<13x8x128xf32, #tpu.memory_space<hbm>>
    %dma_start3A_84 = arith.constant 0 : i32
    %dma_start3A_85 = arith.constant 0 : i32
    %dma_start3A_86 = arith.constant 0 : i32
    %dma_start3A_87 = tpu.memref_slice %arg4[%add3A_78, %dma_start3A_84, %dma_start3A_85, %dma_start3A_86] : memref<2048x26x8x128xf32, #tpu.memory_space<hbm>> -> memref<1x13x8x128xf32, #tpu.memory_space<hbm>>
    %dma_start3A_88 = tpu.memref_squeeze %dma_start3A_87 : memref<1x13x8x128xf32, #tpu.memory_space<hbm>> -> memref<13x8x128xf32, #tpu.memory_space<hbm>>
    tpu.enqueue_dma source(%arg6 : memref<13x8x128xf32, #tpu.memory_space<vmem>>) target(%dma_start3A_88 : memref<13x8x128xf32, #tpu.memory_space<hbm>>) target_semaphore(%arg22 : memref<!tpu.dma_semaphore, #tpu.memory_space<semaphore_mem>>)
    %dma_wait3A_89 = arith.constant 121 : i32
    %dma_wait3A_90 = tpu.memref_reshape %arg7 : memref<13x8x128xf32, #tpu.memory_space<vmem>> -> memref<104x128xf32, #tpu.memory_space<vmem>>
    %dma_wait3A_91 = arith.constant 0 : i32
    %dma_wait3A_92 = tpu.memref_slice %arg5[%dma_wait3A_89, %dma_wait3A_91] : memref<128x104xi32, #tpu.memory_space<vmem>> -> memref<1x104xi32, #tpu.memory_space<vmem>>
    %dma_wait3A_93 = tpu.memref_squeeze %dma_wait3A_92 : memref<1x104xi32, #tpu.memory_space<vmem>> -> memref<104xi32, #tpu.memory_space<vmem>>
    %dma_wait3A_94 = arith.constant 0 : i32
    %dma_wait3A_95 = arith.constant 0 : i32
    %dma_wait3A_96 = tpu.memref_slice %arg2[%dma_wait3A_94, %dma_wait3A_95] : memref<2600000x128xf32, #tpu.memory_space<hbm>> -> memref<2600000x128xf32, #tpu.memory_space<hbm>>
    tpu.wait_indirect_dma semaphore(%arg15 : memref<!tpu.dma_semaphore, #tpu.memory_space<semaphore_mem>>) src(%dma_wait3A_96 : memref<2600000x128xf32, #tpu.memory_space<hbm>>) dst(%dma_wait3A_90 : memref<104x128xf32, #tpu.memory_space<vmem>>)
    %add3A_97 = arith.constant 60 : i32
    %add3A_98 = arith.addi %mul3A_2, %add3A_97 : i32
    %dma_start3A_99 = arith.constant 13 : i32
    %dma_start3A_100 = arith.constant 0 : i32
    %dma_start3A_101 = arith.constant 0 : i32
    %dma_start3A_102 = tpu.memref_slice %arg4[%add3A_98, %dma_start3A_99, %dma_start3A_100, %dma_start3A_101] : memref<2048x26x8x128xf32, #tpu.memory_space<hbm>> -> memref<1x13x8x128xf32, #tpu.memory_space<hbm>>
    %dma_start3A_103 = tpu.memref_squeeze %dma_start3A_102 : memref<1x13x8x128xf32, #tpu.memory_space<hbm>> -> memref<13x8x128xf32, #tpu.memory_space<hbm>>
    %dma_start3A_104 = arith.constant 13 : i32
    %dma_start3A_105 = arith.constant 0 : i32
    %dma_start3A_106 = arith.constant 0 : i32
    %dma_start3A_107 = tpu.memref_slice %arg4[%add3A_98, %dma_start3A_104, %dma_start3A_105, %dma_start3A_106] : memref<2048x26x8x128xf32, #tpu.memory_space<hbm>> -> memref<1x13x8x128xf32, #tpu.memory_space<hbm>>
    %dma_start3A_108 = tpu.memref_squeeze %dma_start3A_107 : memref<1x13x8x128xf32, #tpu.memory_space<hbm>> -> memref<13x8x128xf32, #tpu.memory_space<hbm>>
    tpu.enqueue_dma source(%arg7 : memref<13x8x128xf32, #tpu.memory_space<vmem>>) target(%dma_start3A_108 : memref<13x8x128xf32, #tpu.memory_space<hbm>>) target_semaphore(%arg23 : memref<!tpu.dma_semaphore, #tpu.memory_space<semaphore_mem>>)
    %dma_wait3A_109 = arith.constant 122 : i32
    %dma_wait3A_110 = tpu.memref_reshape %arg8 : memref<13x8x128xf32, #tpu.memory_space<vmem>> -> memref<104x128xf32, #tpu.memory_space<vmem>>
    %dma_wait3A_111 = arith.constant 0 : i32
    %dma_wait3A_112 = tpu.memref_slice %arg5[%dma_wait3A_109, %dma_wait3A_111] : memref<128x104xi32, #tpu.memory_space<vmem>> -> memref<1x104xi32, #tpu.memory_space<vmem>>
    %dma_wait3A_113 = tpu.memref_squeeze %dma_wait3A_112 : memref<1x104xi32, #tpu.memory_space<vmem>> -> memref<104xi32, #tpu.memory_space<vmem>>
    %dma_wait3A_114 = arith.constant 0 : i32
    %dma_wait3A_115 = arith.constant 0 : i32
    %dma_wait3A_116 = tpu.memref_slice %arg2[%dma_wait3A_114, %dma_wait3A_115] : memref<2600000x128xf32, #tpu.memory_space<hbm>> -> memref<2600000x128xf32, #tpu.memory_space<hbm>>
    tpu.wait_indirect_dma semaphore(%arg16 : memref<!tpu.dma_semaphore, #tpu.memory_space<semaphore_mem>>) src(%dma_wait3A_116 : memref<2600000x128xf32, #tpu.memory_space<hbm>>) dst(%dma_wait3A_110 : memref<104x128xf32, #tpu.memory_space<vmem>>)
    %add3A_117 = arith.constant 61 : i32
    %add3A_118 = arith.addi %mul3A_2, %add3A_117 : i32
    %dma_start3A_119 = arith.constant 0 : i32
    %dma_start3A_120 = arith.constant 0 : i32
    %dma_start3A_121 = arith.constant 0 : i32
    %dma_start3A_122 = tpu.memref_slice %arg4[%add3A_118, %dma_start3A_119, %dma_start3A_120, %dma_start3A_121] : memref<2048x26x8x128xf32, #tpu.memory_space<hbm>> -> memref<1x13x8x128xf32, #tpu.memory_space<hbm>>
    %dma_start3A_123 = tpu.memref_squeeze %dma_start3A_122 : memref<1x13x8x128xf32, #tpu.memory_space<hbm>> -> memref<13x8x128xf32, #tpu.memory_space<hbm>>
    %dma_start3A_124 = arith.constant 0 : i32
    %dma_start3A_125 = arith.constant 0 : i32
    %dma_start3A_126 = arith.constant 0 : i32
    %dma_start3A_127 = tpu.memref_slice %arg4[%add3A_118, %dma_start3A_124, %dma_start3A_125, %dma_start3A_126] : memref<2048x26x8x128xf32, #tpu.memory_space<hbm>> -> memref<1x13x8x128xf32, #tpu.memory_space<hbm>>
    %dma_start3A_128 = tpu.memref_squeeze %dma_start3A_127 : memref<1x13x8x128xf32, #tpu.memory_space<hbm>> -> memref<13x8x128xf32, #tpu.memory_space<hbm>>
    tpu.enqueue_dma source(%arg8 : memref<13x8x128xf32, #tpu.memory_space<vmem>>) target(%dma_start3A_128 : memref<13x8x128xf32, #tpu.memory_space<hbm>>) target_semaphore(%arg24 : memref<!tpu.dma_semaphore, #tpu.memory_space<semaphore_mem>>)
    %dma_wait3A_129 = arith.constant 123 : i32
    %dma_wait3A_130 = tpu.memref_reshape %arg9 : memref<13x8x128xf32, #tpu.memory_space<vmem>> -> memref<104x128xf32, #tpu.memory_space<vmem>>
    %dma_wait3A_131 = arith.constant 0 : i32
    %dma_wait3A_132 = tpu.memref_slice %arg5[%dma_wait3A_129, %dma_wait3A_131] : memref<128x104xi32, #tpu.memory_space<vmem>> -> memref<1x104xi32, #tpu.memory_space<vmem>>
    %dma_wait3A_133 = tpu.memref_squeeze %dma_wait3A_132 : memref<1x104xi32, #tpu.memory_space<vmem>> -> memref<104xi32, #tpu.memory_space<vmem>>
    %dma_wait3A_134 = arith.constant 0 : i32
    %dma_wait3A_135 = arith.constant 0 : i32
    %dma_wait3A_136 = tpu.memref_slice %arg2[%dma_wait3A_134, %dma_wait3A_135] : memref<2600000x128xf32, #tpu.memory_space<hbm>> -> memref<2600000x128xf32, #tpu.memory_space<hbm>>
    tpu.wait_indirect_dma semaphore(%arg17 : memref<!tpu.dma_semaphore, #tpu.memory_space<semaphore_mem>>) src(%dma_wait3A_136 : memref<2600000x128xf32, #tpu.memory_space<hbm>>) dst(%dma_wait3A_130 : memref<104x128xf32, #tpu.memory_space<vmem>>)
    %add3A_137 = arith.constant 61 : i32
    %add3A_138 = arith.addi %mul3A_2, %add3A_137 : i32
    %dma_start3A_139 = arith.constant 13 : i32
    %dma_start3A_140 = arith.constant 0 : i32
    %dma_start3A_141 = arith.constant 0 : i32
    %dma_start3A_142 = tpu.memref_slice %arg4[%add3A_138, %dma_start3A_139, %dma_start3A_140, %dma_start3A_141] : memref<2048x26x8x128xf32, #tpu.memory_space<hbm>> -> memref<1x13x8x128xf32, #tpu.memory_space<hbm>>
    %dma_start3A_143 = tpu.memref_squeeze %dma_start3A_142 : memref<1x13x8x128xf32, #tpu.memory_space<hbm>> -> memref<13x8x128xf32, #tpu.memory_space<hbm>>
    %dma_start3A_144 = arith.constant 13 : i32
    %dma_start3A_145 = arith.constant 0 : i32
    %dma_start3A_146 = arith.constant 0 : i32
    %dma_start3A_147 = tpu.memref_slice %arg4[%add3A_138, %dma_start3A_144, %dma_start3A_145, %dma_start3A_146] : memref<2048x26x8x128xf32, #tpu.memory_space<hbm>> -> memref<1x13x8x128xf32, #tpu.memory_space<hbm>>
    %dma_start3A_148 = tpu.memref_squeeze %dma_start3A_147 : memref<1x13x8x128xf32, #tpu.memory_space<hbm>> -> memref<13x8x128xf32, #tpu.memory_space<hbm>>
    tpu.enqueue_dma source(%arg9 : memref<13x8x128xf32, #tpu.memory_space<vmem>>) target(%dma_start3A_148 : memref<13x8x128xf32, #tpu.memory_space<hbm>>) target_semaphore(%arg25 : memref<!tpu.dma_semaphore, #tpu.memory_space<semaphore_mem>>)
    %dma_wait3A_149 = arith.constant 124 : i32
    %dma_wait3A_150 = tpu.memref_reshape %arg10 : memref<13x8x128xf32, #tpu.memory_space<vmem>> -> memref<104x128xf32, #tpu.memory_space<vmem>>
    %dma_wait3A_151 = arith.constant 0 : i32
    %dma_wait3A_152 = tpu.memref_slice %arg5[%dma_wait3A_149, %dma_wait3A_151] : memref<128x104xi32, #tpu.memory_space<vmem>> -> memref<1x104xi32, #tpu.memory_space<vmem>>
    %dma_wait3A_153 = tpu.memref_squeeze %dma_wait3A_152 : memref<1x104xi32, #tpu.memory_space<vmem>> -> memref<104xi32, #tpu.memory_space<vmem>>
    %dma_wait3A_154 = arith.constant 0 : i32
    %dma_wait3A_155 = arith.constant 0 : i32
    %dma_wait3A_156 = tpu.memref_slice %arg2[%dma_wait3A_154, %dma_wait3A_155] : memref<2600000x128xf32, #tpu.memory_space<hbm>> -> memref<2600000x128xf32, #tpu.memory_space<hbm>>
    tpu.wait_indirect_dma semaphore(%arg18 : memref<!tpu.dma_semaphore, #tpu.memory_space<semaphore_mem>>) src(%dma_wait3A_156 : memref<2600000x128xf32, #tpu.memory_space<hbm>>) dst(%dma_wait3A_150 : memref<104x128xf32, #tpu.memory_space<vmem>>)
    %add3A_157 = arith.constant 62 : i32
    %add3A_158 = arith.addi %mul3A_2, %add3A_157 : i32
    %dma_start3A_159 = arith.constant 0 : i32
    %dma_start3A_160 = arith.constant 0 : i32
    %dma_start3A_161 = arith.constant 0 : i32
    %dma_start3A_162 = tpu.memref_slice %arg4[%add3A_158, %dma_start3A_159, %dma_start3A_160, %dma_start3A_161] : memref<2048x26x8x128xf32, #tpu.memory_space<hbm>> -> memref<1x13x8x128xf32, #tpu.memory_space<hbm>>
    %dma_start3A_163 = tpu.memref_squeeze %dma_start3A_162 : memref<1x13x8x128xf32, #tpu.memory_space<hbm>> -> memref<13x8x128xf32, #tpu.memory_space<hbm>>
    %dma_start3A_164 = arith.constant 0 : i32
    %dma_start3A_165 = arith.constant 0 : i32
    %dma_start3A_166 = arith.constant 0 : i32
    %dma_start3A_167 = tpu.memref_slice %arg4[%add3A_158, %dma_start3A_164, %dma_start3A_165, %dma_start3A_166] : memref<2048x26x8x128xf32, #tpu.memory_space<hbm>> -> memref<1x13x8x128xf32, #tpu.memory_space<hbm>>
    %dma_start3A_168 = tpu.memref_squeeze %dma_start3A_167 : memref<1x13x8x128xf32, #tpu.memory_space<hbm>> -> memref<13x8x128xf32, #tpu.memory_space<hbm>>
    tpu.enqueue_dma source(%arg10 : memref<13x8x128xf32, #tpu.memory_space<vmem>>) target(%dma_start3A_168 : memref<13x8x128xf32, #tpu.memory_space<hbm>>) target_semaphore(%arg26 : memref<!tpu.dma_semaphore, #tpu.memory_space<semaphore_mem>>)
    %dma_wait3A_169 = arith.constant 125 : i32
    %dma_wait3A_170 = tpu.memref_reshape %arg11 : memref<13x8x128xf32, #tpu.memory_space<vmem>> -> memref<104x128xf32, #tpu.memory_space<vmem>>
    %dma_wait3A_171 = arith.constant 0 : i32
    %dma_wait3A_172 = tpu.memref_slice %arg5[%dma_wait3A_169, %dma_wait3A_171] : memref<128x104xi32, #tpu.memory_space<vmem>> -> memref<1x104xi32, #tpu.memory_space<vmem>>
    %dma_wait3A_173 = tpu.memref_squeeze %dma_wait3A_172 : memref<1x104xi32, #tpu.memory_space<vmem>> -> memref<104xi32, #tpu.memory_space<vmem>>
    %dma_wait3A_174 = arith.constant 0 : i32
    %dma_wait3A_175 = arith.constant 0 : i32
    %dma_wait3A_176 = tpu.memref_slice %arg2[%dma_wait3A_174, %dma_wait3A_175] : memref<2600000x128xf32, #tpu.memory_space<hbm>> -> memref<2600000x128xf32, #tpu.memory_space<hbm>>
    tpu.wait_indirect_dma semaphore(%arg19 : memref<!tpu.dma_semaphore, #tpu.memory_space<semaphore_mem>>) src(%dma_wait3A_176 : memref<2600000x128xf32, #tpu.memory_space<hbm>>) dst(%dma_wait3A_170 : memref<104x128xf32, #tpu.memory_space<vmem>>)
    %add3A_177 = arith.constant 62 : i32
    %add3A_178 = arith.addi %mul3A_2, %add3A_177 : i32
    %dma_start3A_179 = arith.constant 13 : i32
    %dma_start3A_180 = arith.constant 0 : i32
    %dma_start3A_181 = arith.constant 0 : i32
    %dma_start3A_182 = tpu.memref_slice %arg4[%add3A_178, %dma_start3A_179, %dma_start3A_180, %dma_start3A_181] : memref<2048x26x8x128xf32, #tpu.memory_space<hbm>> -> memref<1x13x8x128xf32, #tpu.memory_space<hbm>>
    %dma_start3A_183 = tpu.memref_squeeze %dma_start3A_182 : memref<1x13x8x128xf32, #tpu.memory_space<hbm>> -> memref<13x8x128xf32, #tpu.memory_space<hbm>>
    %dma_start3A_184 = arith.constant 13 : i32
    %dma_start3A_185 = arith.constant 0 : i32
    %dma_start3A_186 = arith.constant 0 : i32
    %dma_start3A_187 = tpu.memref_slice %arg4[%add3A_178, %dma_start3A_184, %dma_start3A_185, %dma_start3A_186] : memref<2048x26x8x128xf32, #tpu.memory_space<hbm>> -> memref<1x13x8x128xf32, #tpu.memory_space<hbm>>
    %dma_start3A_188 = tpu.memref_squeeze %dma_start3A_187 : memref<1x13x8x128xf32, #tpu.memory_space<hbm>> -> memref<13x8x128xf32, #tpu.memory_space<hbm>>
    tpu.enqueue_dma source(%arg11 : memref<13x8x128xf32, #tpu.memory_space<vmem>>) target(%dma_start3A_188 : memref<13x8x128xf32, #tpu.memory_space<hbm>>) target_semaphore(%arg27 : memref<!tpu.dma_semaphore, #tpu.memory_space<semaphore_mem>>)
    %dma_wait3A_189 = arith.constant 126 : i32
    %dma_wait3A_190 = tpu.memref_reshape %arg12 : memref<13x8x128xf32, #tpu.memory_space<vmem>> -> memref<104x128xf32, #tpu.memory_space<vmem>>
    %dma_wait3A_191 = arith.constant 0 : i32
    %dma_wait3A_192 = tpu.memref_slice %arg5[%dma_wait3A_189, %dma_wait3A_191] : memref<128x104xi32, #tpu.memory_space<vmem>> -> memref<1x104xi32, #tpu.memory_space<vmem>>
    %dma_wait3A_193 = tpu.memref_squeeze %dma_wait3A_192 : memref<1x104xi32, #tpu.memory_space<vmem>> -> memref<104xi32, #tpu.memory_space<vmem>>
    %dma_wait3A_194 = arith.constant 0 : i32
    %dma_wait3A_195 = arith.constant 0 : i32
    %dma_wait3A_196 = tpu.memref_slice %arg2[%dma_wait3A_194, %dma_wait3A_195] : memref<2600000x128xf32, #tpu.memory_space<hbm>> -> memref<2600000x128xf32, #tpu.memory_space<hbm>>
    tpu.wait_indirect_dma semaphore(%arg20 : memref<!tpu.dma_semaphore, #tpu.memory_space<semaphore_mem>>) src(%dma_wait3A_196 : memref<2600000x128xf32, #tpu.memory_space<hbm>>) dst(%dma_wait3A_190 : memref<104x128xf32, #tpu.memory_space<vmem>>)
    %add3A_197 = arith.constant 63 : i32
    %add3A_198 = arith.addi %mul3A_2, %add3A_197 : i32
    %dma_start3A_199 = arith.constant 0 : i32
    %dma_start3A_200 = arith.constant 0 : i32
    %dma_start3A_201 = arith.constant 0 : i32
    %dma_start3A_202 = tpu.memref_slice %arg4[%add3A_198, %dma_start3A_199, %dma_start3A_200, %dma_start3A_201] : memref<2048x26x8x128xf32, #tpu.memory_space<hbm>> -> memref<1x13x8x128xf32, #tpu.memory_space<hbm>>
    %dma_start3A_203 = tpu.memref_squeeze %dma_start3A_202 : memref<1x13x8x128xf32, #tpu.memory_space<hbm>> -> memref<13x8x128xf32, #tpu.memory_space<hbm>>
    %dma_start3A_204 = arith.constant 0 : i32
    %dma_start3A_205 = arith.constant 0 : i32
    %dma_start3A_206 = arith.constant 0 : i32
    %dma_start3A_207 = tpu.memref_slice %arg4[%add3A_198, %dma_start3A_204, %dma_start3A_205, %dma_start3A_206] : memref<2048x26x8x128xf32, #tpu.memory_space<hbm>> -> memref<1x13x8x128xf32, #tpu.memory_space<hbm>>
    %dma_start3A_208 = tpu.memref_squeeze %dma_start3A_207 : memref<1x13x8x128xf32, #tpu.memory_space<hbm>> -> memref<13x8x128xf32, #tpu.memory_space<hbm>>
    tpu.enqueue_dma source(%arg12 : memref<13x8x128xf32, #tpu.memory_space<vmem>>) target(%dma_start3A_208 : memref<13x8x128xf32, #tpu.memory_space<hbm>>) target_semaphore(%arg28 : memref<!tpu.dma_semaphore, #tpu.memory_space<semaphore_mem>>)
    %dma_wait3A_209 = arith.constant 127 : i32
    %dma_wait3A_210 = tpu.memref_reshape %arg13 : memref<13x8x128xf32, #tpu.memory_space<vmem>> -> memref<104x128xf32, #tpu.memory_space<vmem>>
    %dma_wait3A_211 = arith.constant 0 : i32
    %dma_wait3A_212 = tpu.memref_slice %arg5[%dma_wait3A_209, %dma_wait3A_211] : memref<128x104xi32, #tpu.memory_space<vmem>> -> memref<1x104xi32, #tpu.memory_space<vmem>>
    %dma_wait3A_213 = tpu.memref_squeeze %dma_wait3A_212 : memref<1x104xi32, #tpu.memory_space<vmem>> -> memref<104xi32, #tpu.memory_space<vmem>>
    %dma_wait3A_214 = arith.constant 0 : i32
    %dma_wait3A_215 = arith.constant 0 : i32
    %dma_wait3A_216 = tpu.memref_slice %arg2[%dma_wait3A_214, %dma_wait3A_215] : memref<2600000x128xf32, #tpu.memory_space<hbm>> -> memref<2600000x128xf32, #tpu.memory_space<hbm>>
    tpu.wait_indirect_dma semaphore(%arg21 : memref<!tpu.dma_semaphore, #tpu.memory_space<semaphore_mem>>) src(%dma_wait3A_216 : memref<2600000x128xf32, #tpu.memory_space<hbm>>) dst(%dma_wait3A_210 : memref<104x128xf32, #tpu.memory_space<vmem>>)
    %add3A_217 = arith.constant 63 : i32
    %add3A_218 = arith.addi %mul3A_2, %add3A_217 : i32
    %dma_start3A_219 = arith.constant 13 : i32
    %dma_start3A_220 = arith.constant 0 : i32
    %dma_start3A_221 = arith.constant 0 : i32
    %dma_start3A_222 = tpu.memref_slice %arg4[%add3A_218, %dma_start3A_219, %dma_start3A_220, %dma_start3A_221] : memref<2048x26x8x128xf32, #tpu.memory_space<hbm>> -> memref<1x13x8x128xf32, #tpu.memory_space<hbm>>
    %dma_start3A_223 = tpu.memref_squeeze %dma_start3A_222 : memref<1x13x8x128xf32, #tpu.memory_space<hbm>> -> memref<13x8x128xf32, #tpu.memory_space<hbm>>
    %dma_start3A_224 = arith.constant 13 : i32
    %dma_start3A_225 = arith.constant 0 : i32
    %dma_start3A_226 = arith.constant 0 : i32
    %dma_start3A_227 = tpu.memref_slice %arg4[%add3A_218, %dma_start3A_224, %dma_start3A_225, %dma_start3A_226] : memref<2048x26x8x128xf32, #tpu.memory_space<hbm>> -> memref<1x13x8x128xf32, #tpu.memory_space<hbm>>
    %dma_start3A_228 = tpu.memref_squeeze %dma_start3A_227 : memref<1x13x8x128xf32, #tpu.memory_space<hbm>> -> memref<13x8x128xf32, #tpu.memory_space<hbm>>
    tpu.enqueue_dma source(%arg13 : memref<13x8x128xf32, #tpu.memory_space<vmem>>) target(%dma_start3A_228 : memref<13x8x128xf32, #tpu.memory_space<hbm>>) target_semaphore(%arg29 : memref<!tpu.dma_semaphore, #tpu.memory_space<semaphore_mem>>)
    %add3A_229 = arith.constant 60 : i32
    %add3A_230 = arith.addi %mul3A_2, %add3A_229 : i32
    %dma_wait3A_231 = arith.constant 0 : i32
    %dma_wait3A_232 = arith.constant 0 : i32
    %dma_wait3A_233 = arith.constant 0 : i32
    %dma_wait3A_234 = tpu.memref_slice %arg4[%add3A_230, %dma_wait3A_231, %dma_wait3A_232, %dma_wait3A_233] : memref<2048x26x8x128xf32, #tpu.memory_space<hbm>> -> memref<1x13x8x128xf32, #tpu.memory_space<hbm>>
    %dma_wait3A_235 = tpu.memref_squeeze %dma_wait3A_234 : memref<1x13x8x128xf32, #tpu.memory_space<hbm>> -> memref<13x8x128xf32, #tpu.memory_space<hbm>>
    %dma_wait3A_236 = arith.constant 0 : i32
    %dma_wait3A_237 = arith.constant 0 : i32
    %dma_wait3A_238 = arith.constant 0 : i32
    %dma_wait3A_239 = tpu.memref_slice %arg4[%add3A_230, %dma_wait3A_236, %dma_wait3A_237, %dma_wait3A_238] : memref<2048x26x8x128xf32, #tpu.memory_space<hbm>> -> memref<1x13x8x128xf32, #tpu.memory_space<hbm>>
    %dma_wait3A_240 = tpu.memref_squeeze %dma_wait3A_239 : memref<1x13x8x128xf32, #tpu.memory_space<hbm>> -> memref<13x8x128xf32, #tpu.memory_space<hbm>>
    tpu.wait_dma2 semaphore(%arg22 : memref<!tpu.dma_semaphore, #tpu.memory_space<semaphore_mem>>) src(%arg6 : memref<13x8x128xf32, #tpu.memory_space<vmem>>) dst(%dma_wait3A_240 : memref<13x8x128xf32, #tpu.memory_space<hbm>>)
    %add3A_241 = arith.constant 60 : i32
    %add3A_242 = arith.addi %mul3A_2, %add3A_241 : i32
    %dma_wait3A_243 = arith.constant 13 : i32
    %dma_wait3A_244 = arith.constant 0 : i32
    %dma_wait3A_245 = arith.constant 0 : i32
    %dma_wait3A_246 = tpu.memref_slice %arg4[%add3A_242, %dma_wait3A_243, %dma_wait3A_244, %dma_wait3A_245] : memref<2048x26x8x128xf32, #tpu.memory_space<hbm>> -> memref<1x13x8x128xf32, #tpu.memory_space<hbm>>
    %dma_wait3A_247 = tpu.memref_squeeze %dma_wait3A_246 : memref<1x13x8x128xf32, #tpu.memory_space<hbm>> -> memref<13x8x128xf32, #tpu.memory_space<hbm>>
    %dma_wait3A_248 = arith.constant 13 : i32
    %dma_wait3A_249 = arith.constant 0 : i32
    %dma_wait3A_250 = arith.constant 0 : i32
    %dma_wait3A_251 = tpu.memref_slice %arg4[%add3A_242, %dma_wait3A_248, %dma_wait3A_249, %dma_wait3A_250] : memref<2048x26x8x128xf32, #tpu.memory_space<hbm>> -> memref<1x13x8x128xf32, #tpu.memory_space<hbm>>
    %dma_wait3A_252 = tpu.memref_squeeze %dma_wait3A_251 : memref<1x13x8x128xf32, #tpu.memory_space<hbm>> -> memref<13x8x128xf32, #tpu.memory_space<hbm>>
    tpu.wait_dma2 semaphore(%arg23 : memref<!tpu.dma_semaphore, #tpu.memory_space<semaphore_mem>>) src(%arg7 : memref<13x8x128xf32, #tpu.memory_space<vmem>>) dst(%dma_wait3A_252 : memref<13x8x128xf32, #tpu.memory_space<hbm>>)
    %add3A_253 = arith.constant 61 : i32
    %add3A_254 = arith.addi %mul3A_2, %add3A_253 : i32
    %dma_wait3A_255 = arith.constant 0 : i32
    %dma_wait3A_256 = arith.constant 0 : i32
    %dma_wait3A_257 = arith.constant 0 : i32
    %dma_wait3A_258 = tpu.memref_slice %arg4[%add3A_254, %dma_wait3A_255, %dma_wait3A_256, %dma_wait3A_257] : memref<2048x26x8x128xf32, #tpu.memory_space<hbm>> -> memref<1x13x8x128xf32, #tpu.memory_space<hbm>>
    %dma_wait3A_259 = tpu.memref_squeeze %dma_wait3A_258 : memref<1x13x8x128xf32, #tpu.memory_space<hbm>> -> memref<13x8x128xf32, #tpu.memory_space<hbm>>
    %dma_wait3A_260 = arith.constant 0 : i32
    %dma_wait3A_261 = arith.constant 0 : i32
    %dma_wait3A_262 = arith.constant 0 : i32
    %dma_wait3A_263 = tpu.memref_slice %arg4[%add3A_254, %dma_wait3A_260, %dma_wait3A_261, %dma_wait3A_262] : memref<2048x26x8x128xf32, #tpu.memory_space<hbm>> -> memref<1x13x8x128xf32, #tpu.memory_space<hbm>>
    %dma_wait3A_264 = tpu.memref_squeeze %dma_wait3A_263 : memref<1x13x8x128xf32, #tpu.memory_space<hbm>> -> memref<13x8x128xf32, #tpu.memory_space<hbm>>
    tpu.wait_dma2 semaphore(%arg24 : memref<!tpu.dma_semaphore, #tpu.memory_space<semaphore_mem>>) src(%arg8 : memref<13x8x128xf32, #tpu.memory_space<vmem>>) dst(%dma_wait3A_264 : memref<13x8x128xf32, #tpu.memory_space<hbm>>)
    %add3A_265 = arith.constant 61 : i32
    %add3A_266 = arith.addi %mul3A_2, %add3A_265 : i32
    %dma_wait3A_267 = arith.constant 13 : i32
    %dma_wait3A_268 = arith.constant 0 : i32
    %dma_wait3A_269 = arith.constant 0 : i32
    %dma_wait3A_270 = tpu.memref_slice %arg4[%add3A_266, %dma_wait3A_267, %dma_wait3A_268, %dma_wait3A_269] : memref<2048x26x8x128xf32, #tpu.memory_space<hbm>> -> memref<1x13x8x128xf32, #tpu.memory_space<hbm>>
    %dma_wait3A_271 = tpu.memref_squeeze %dma_wait3A_270 : memref<1x13x8x128xf32, #tpu.memory_space<hbm>> -> memref<13x8x128xf32, #tpu.memory_space<hbm>>
    %dma_wait3A_272 = arith.constant 13 : i32
    %dma_wait3A_273 = arith.constant 0 : i32
    %dma_wait3A_274 = arith.constant 0 : i32
    %dma_wait3A_275 = tpu.memref_slice %arg4[%add3A_266, %dma_wait3A_272, %dma_wait3A_273, %dma_wait3A_274] : memref<2048x26x8x128xf32, #tpu.memory_space<hbm>> -> memref<1x13x8x128xf32, #tpu.memory_space<hbm>>
    %dma_wait3A_276 = tpu.memref_squeeze %dma_wait3A_275 : memref<1x13x8x128xf32, #tpu.memory_space<hbm>> -> memref<13x8x128xf32, #tpu.memory_space<hbm>>
    tpu.wait_dma2 semaphore(%arg25 : memref<!tpu.dma_semaphore, #tpu.memory_space<semaphore_mem>>) src(%arg9 : memref<13x8x128xf32, #tpu.memory_space<vmem>>) dst(%dma_wait3A_276 : memref<13x8x128xf32, #tpu.memory_space<hbm>>)
    %add3A_277 = arith.constant 62 : i32
    %add3A_278 = arith.addi %mul3A_2, %add3A_277 : i32
    %dma_wait3A_279 = arith.constant 0 : i32
    %dma_wait3A_280 = arith.constant 0 : i32
    %dma_wait3A_281 = arith.constant 0 : i32
    %dma_wait3A_282 = tpu.memref_slice %arg4[%add3A_278, %dma_wait3A_279, %dma_wait3A_280, %dma_wait3A_281] : memref<2048x26x8x128xf32, #tpu.memory_space<hbm>> -> memref<1x13x8x128xf32, #tpu.memory_space<hbm>>
    %dma_wait3A_283 = tpu.memref_squeeze %dma_wait3A_282 : memref<1x13x8x128xf32, #tpu.memory_space<hbm>> -> memref<13x8x128xf32, #tpu.memory_space<hbm>>
    %dma_wait3A_284 = arith.constant 0 : i32
    %dma_wait3A_285 = arith.constant 0 : i32
    %dma_wait3A_286 = arith.constant 0 : i32
    %dma_wait3A_287 = tpu.memref_slice %arg4[%add3A_278, %dma_wait3A_284, %dma_wait3A_285, %dma_wait3A_286] : memref<2048x26x8x128xf32, #tpu.memory_space<hbm>> -> memref<1x13x8x128xf32, #tpu.memory_space<hbm>>
    %dma_wait3A_288 = tpu.memref_squeeze %dma_wait3A_287 : memref<1x13x8x128xf32, #tpu.memory_space<hbm>> -> memref<13x8x128xf32, #tpu.memory_space<hbm>>
    tpu.wait_dma2 semaphore(%arg26 : memref<!tpu.dma_semaphore, #tpu.memory_space<semaphore_mem>>) src(%arg10 : memref<13x8x128xf32, #tpu.memory_space<vmem>>) dst(%dma_wait3A_288 : memref<13x8x128xf32, #tpu.memory_space<hbm>>)
    %add3A_289 = arith.constant 62 : i32
    %add3A_290 = arith.addi %mul3A_2, %add3A_289 : i32
    %dma_wait3A_291 = arith.constant 13 : i32
    %dma_wait3A_292 = arith.constant 0 : i32
    %dma_wait3A_293 = arith.constant 0 : i32
    %dma_wait3A_294 = tpu.memref_slice %arg4[%add3A_290, %dma_wait3A_291, %dma_wait3A_292, %dma_wait3A_293] : memref<2048x26x8x128xf32, #tpu.memory_space<hbm>> -> memref<1x13x8x128xf32, #tpu.memory_space<hbm>>
    %dma_wait3A_295 = tpu.memref_squeeze %dma_wait3A_294 : memref<1x13x8x128xf32, #tpu.memory_space<hbm>> -> memref<13x8x128xf32, #tpu.memory_space<hbm>>
    %dma_wait3A_296 = arith.constant 13 : i32
    %dma_wait3A_297 = arith.constant 0 : i32
    %dma_wait3A_298 = arith.constant 0 : i32
    %dma_wait3A_299 = tpu.memref_slice %arg4[%add3A_290, %dma_wait3A_296, %dma_wait3A_297, %dma_wait3A_298] : memref<2048x26x8x128xf32, #tpu.memory_space<hbm>> -> memref<1x13x8x128xf32, #tpu.memory_space<hbm>>
    %dma_wait3A_300 = tpu.memref_squeeze %dma_wait3A_299 : memref<1x13x8x128xf32, #tpu.memory_space<hbm>> -> memref<13x8x128xf32, #tpu.memory_space<hbm>>
    tpu.wait_dma2 semaphore(%arg27 : memref<!tpu.dma_semaphore, #tpu.memory_space<semaphore_mem>>) src(%arg11 : memref<13x8x128xf32, #tpu.memory_space<vmem>>) dst(%dma_wait3A_300 : memref<13x8x128xf32, #tpu.memory_space<hbm>>)
    %add3A_301 = arith.constant 63 : i32
    %add3A_302 = arith.addi %mul3A_2, %add3A_301 : i32
    %dma_wait3A_303 = arith.constant 0 : i32
    %dma_wait3A_304 = arith.constant 0 : i32
    %dma_wait3A_305 = arith.constant 0 : i32
    %dma_wait3A_306 = tpu.memref_slice %arg4[%add3A_302, %dma_wait3A_303, %dma_wait3A_304, %dma_wait3A_305] : memref<2048x26x8x128xf32, #tpu.memory_space<hbm>> -> memref<1x13x8x128xf32, #tpu.memory_space<hbm>>
    %dma_wait3A_307 = tpu.memref_squeeze %dma_wait3A_306 : memref<1x13x8x128xf32, #tpu.memory_space<hbm>> -> memref<13x8x128xf32, #tpu.memory_space<hbm>>
    %dma_wait3A_308 = arith.constant 0 : i32
    %dma_wait3A_309 = arith.constant 0 : i32
    %dma_wait3A_310 = arith.constant 0 : i32
    %dma_wait3A_311 = tpu.memref_slice %arg4[%add3A_302, %dma_wait3A_308, %dma_wait3A_309, %dma_wait3A_310] : memref<2048x26x8x128xf32, #tpu.memory_space<hbm>> -> memref<1x13x8x128xf32, #tpu.memory_space<hbm>>
    %dma_wait3A_312 = tpu.memref_squeeze %dma_wait3A_311 : memref<1x13x8x128xf32, #tpu.memory_space<hbm>> -> memref<13x8x128xf32, #tpu.memory_space<hbm>>
    tpu.wait_dma2 semaphore(%arg28 : memref<!tpu.dma_semaphore, #tpu.memory_space<semaphore_mem>>) src(%arg12 : memref<13x8x128xf32, #tpu.memory_space<vmem>>) dst(%dma_wait3A_312 : memref<13x8x128xf32, #tpu.memory_space<hbm>>)
    %add3A_313 = arith.constant 63 : i32
    %add3A_314 = arith.addi %mul3A_2, %add3A_313 : i32
    %dma_wait3A_315 = arith.constant 13 : i32
    %dma_wait3A_316 = arith.constant 0 : i32
    %dma_wait3A_317 = arith.constant 0 : i32
    %dma_wait3A_318 = tpu.memref_slice %arg4[%add3A_314, %dma_wait3A_315, %dma_wait3A_316, %dma_wait3A_317] : memref<2048x26x8x128xf32, #tpu.memory_space<hbm>> -> memref<1x13x8x128xf32, #tpu.memory_space<hbm>>
    %dma_wait3A_319 = tpu.memref_squeeze %dma_wait3A_318 : memref<1x13x8x128xf32, #tpu.memory_space<hbm>> -> memref<13x8x128xf32, #tpu.memory_space<hbm>>
    %dma_wait3A_320 = arith.constant 13 : i32
    %dma_wait3A_321 = arith.constant 0 : i32
    %dma_wait3A_322 = arith.constant 0 : i32
    %dma_wait3A_323 = tpu.memref_slice %arg4[%add3A_314, %dma_wait3A_320, %dma_wait3A_321, %dma_wait3A_322] : memref<2048x26x8x128xf32, #tpu.memory_space<hbm>> -> memref<1x13x8x128xf32, #tpu.memory_space<hbm>>
    %dma_wait3A_324 = tpu.memref_squeeze %dma_wait3A_323 : memref<1x13x8x128xf32, #tpu.memory_space<hbm>> -> memref<13x8x128xf32, #tpu.memory_space<hbm>>
    tpu.wait_dma2 semaphore(%arg29 : memref<!tpu.dma_semaphore, #tpu.memory_space<semaphore_mem>>) src(%arg13 : memref<13x8x128xf32, #tpu.memory_space<vmem>>) dst(%dma_wait3A_324 : memref<13x8x128xf32, #tpu.memory_space<hbm>>)
    return
  }
}

</mosaic_0001>

<sc_bundles>
// kernel: _multi_embed.3.cloned.1.call-start
scs
__scs_entry_jumppad:
0x0: {  	(pc) =	sbr.rel $0x88, $3  }
0x1: {  	(tag) =	ssettag $0x0;
	lr =	simm.s32 $0x1  }
0x2: {  	[smem:$0x3F9F] =	sst lr;
	_ =	strace $0xD0000000  }
0x3: {  	_ = 	snop  }
0x4: {  	_ = 	snop  }
0x5: {  	_ = 	snop  }
0x6: {  	_ = 	snop  }
0x7: {  	_ = 	snop  }
__scs_overlays_trampoline_lowered:
0x8: {  	[smem:$0x3FAE] =	sst s0  }
0x9: {  	[smem:$0x3FAF] =	sst s1  }
0xa: {  	[smem:$0x3FB0] =	sst s2  }
0xb: {  	[smem:$0x3FB1] =	sst s3  }
0xc: {  	[smem:$0x3FB2] =	sst s4  }
0xd: {  	[smem:$0x3FB3] =	sst s5  }
0xe: {  	[smem:$0x3FB4] =	sst s6  }
0xf: {  	[smem:$0x3FB5] =	sst s7  }
0x10: {  	[smem:$0x3FB6] =	sst s8  }
0x11: {  	[smem:$0x3FB7] =	sst s9;
	s0 =	simm.s32 @!p0 $0x0  }
0x12: {  	s1 =	sld [smem:$0x3F9D];
	s0 =	simm.s32 @p0 $0x1  }
0x13: {  	[smem:$0x3FB8] =	sst s0;
	s0 =	simm.s32 @!p1 $0x0  }
0x14: {  	s2 =	sld [smem:$0x3F9C];
	s0 =	simm.s32 @p1 $0x1  }
0x15: {  	[smem:$0x3FB9] =	sst s0;
	s0 =	simm.s32 @!p2 $0x0  }
0x16: {  	s3 =	sld [smem:$0x3FDB];
	s0 =	simm.s32 @p2 $0x1  }
0x17: {  	s4 =	simm.s32 $0x1BF5;
	[smem:$0x3FBB] =	sst s0  }
0x18: {  	s0 =	sld [smem:$0x3F9E];
	_ =	swait.ge [sflag:s4], $0x0  }
0x19: {  	s7 =	sld [smem:$0x3F9F]  }
0x1a: {  	s8 =	sadd.s32 $0xFFFFE003, lr  }
0x1b: {  	s9 =	sadd.s32 $0xFFFFFEF7, lr;
	s5 =	simm.s32 $0xFFFFFFFF;
	p2 =	slt.u32 s8, $0xFFFFF086  }
0x1c: {  	p1 =	slt.u32 s9, $0xF7A;
	s5 =	simm.s32 @!p2 $0x0  }
0x1d: {  	s5 =	simm.s32 @p1 $0x1;
	p0 =	seq.s32 s7, s2  }
0x1e: {  	s7 =	smul.u32 @!p0 $0xF7A, s2;
	p2 =	seq.s32 @!p0 s5, $0x0  }
0x1f: {  	s9 =	smul.u32 $0xF7A, s1;
	s8 =	simm.s32 @!p0 $0x1BF5;
	p2 =	por !p2, p0  }
0x20: {  	[sflag:s8] =	ssyncset.s32 @!p0 $0xFFFFF086;
	s6 =	sadd.s32 @!p0 s3, s7;
	s7 =	simm.s32 @!p0 $0x108  }
0x21: {  	s3 =	sadd.s32 s3, s9;
	s6 =	sadd.s32 @!p0 $0x88, s6;
	s7 =	simm.s32 @p2 $0x1082  }
0x22: {  	[simem:s7], [sflag:s8] =	dma.local @!p0 [hbm:s6], $0xF7A  }
0x23: {  	s9 =	sor.u32 $0xD0000000, s2;
	s6 =	simm.s32 $0x108;
	_ =	swait.ge @!p0 [sflag:s8], $0x0  }
0x24: {  	s3 =	sadd.s32 $0x88, s3;
	s6 =	simm.s32 @!p1 $0x1082;
	[sflag:s4] =	ssyncset.s32 $0xFFFFF086  }
0x25: {  	[simem:s6], [sflag:s4] =	dma.local [hbm:s3], $0xF7A  }
0x26: {  	[smem:$0x3F9F] =	sst s1;
	(tag) =	ssettag s2;
	_ =	strace s9  }
0x27: {  	s1 =	sld [smem:$0x3FAF]  }
0x28: {  	s2 =	sld [smem:$0x3FB0]  }
0x29: {  	s4 =	sld [smem:$0x3FB2]  }
0x2a: {  	p0 =	seq.s32 s5, $0x0;
	s5 =	sld [smem:$0x3FB3]  }
0x2b: {  	s6 =	sld [smem:$0x3FB4]  }
0x2c: {  	s7 =	sld [smem:$0x3FB5]  }
0x2d: {  	s3 =	simm.s32 $0x108;
	s8 =	sld [smem:$0x3FB6]  }
0x2e: {  	s3 =	simm.s32 @!p0 $0x1082;
	s9 =	sld [smem:$0x3FB7]  }
0x2f: {  	lr =	sadd.s32 s0, s3;
	s0 =	sld [smem:$0x3FAE]  }
0x30: {  	s3 =	sld [smem:$0x3FB1]  }
0x31: {  	[smem:$0x3FBA] =	sst s10  }
0x32: {  	s10 =	sld [smem:$0x3FB8];
	_ =	sdelay $0x3  }
0x33: {  	p0 =	seq.s32 s10, $0x1;
	s10 =	sld [smem:$0x3FBA];
	_ =	sdelay $0x3  }
0x34: {  	[smem:$0x3FBA] =	sst s10  }
0x35: {  	s10 =	sld [smem:$0x3FB9];
	_ =	sdelay $0x3  }
0x36: {  	p1 =	seq.s32 s10, $0x1;
	s10 =	sld [smem:$0x3FBA];
	_ =	sdelay $0x3  }
0x37: {  	[smem:$0x3FBA] =	sst s10  }
0x38: {  	s10 =	sld [smem:$0x3FBB]  }
0x39: {  	_ = 	snop;
	(pc) =	sbr.ind lr, $3  }
0x3a: {  	_ = 	snop  }
0x3b: {  	_ = 	snop  }
0x3c: {  	p2 =	seq.s32 s10, $0x1;
	s10 =	sld [smem:$0x3FBA]  }
0x3d: {  	_ =	shalt  }
0x3e: {  	_ =	shalt  }
0x3f: {  	_ =	shalt  }
0x40: {  	_ =	shalt  }
0x41: {  	_ =	shalt  }
0x42: {  	_ =	shalt  }
0x43: {  	_ =	shalt  }
0x44: {  	_ =	shalt  }
0x45: {  	_ =	shalt  }
0x46: {  	_ =	shalt  }
0x47: {  	_ =	shalt  }
0x48: {  	_ =	shalt  }
0x49: {  	_ =	shalt  }
0x4a: {  	_ =	shalt  }
0x4b: {  	_ =	shalt  }
0x4c: {  	_ =	shalt  }
0x4d: {  	_ =	shalt  }
0x4e: {  	_ =	shalt  }
0x4f: {  	_ =	shalt  }
0x50: {  	_ =	shalt  }
0x51: {  	_ =	shalt  }
0x52: {  	_ =	shalt  }
0x53: {  	_ =	shalt  }
0x54: {  	_ =	shalt  }
0x55: {  	_ =	shalt  }
0x56: {  	_ =	shalt  }
0x57: {  	_ =	shalt  }
0x58: {  	_ =	shalt  }
0x59: {  	_ =	shalt  }
0x5a: {  	_ =	shalt  }
0x5b: {  	_ =	shalt  }
0x5c: {  	_ =	shalt  }
0x5d: {  	_ =	shalt  }
0x5e: {  	_ =	shalt  }
0x5f: {  	_ =	shalt  }
0x60: {  	_ =	shalt  }
0x61: {  	_ =	shalt  }
0x62: {  	_ =	shalt  }
0x63: {  	_ =	shalt  }
0x64: {  	_ =	shalt  }
0x65: {  	_ =	shalt  }
0x66: {  	_ =	shalt  }
0x67: {  	_ =	shalt  }
0x68: {  	_ =	shalt  }
0x69: {  	_ =	shalt  }
0x6a: {  	_ =	shalt  }
0x6b: {  	_ =	shalt  }
0x6c: {  	_ =	shalt  }
0x6d: {  	_ =	shalt  }
0x6e: {  	_ =	shalt  }
0x6f: {  	_ =	shalt  }
0x70: {  	_ =	shalt  }
0x71: {  	_ =	shalt  }
0x72: {  	_ =	shalt  }
0x73: {  	_ =	shalt  }
0x74: {  	_ =	shalt  }
0x75: {  	_ =	shalt  }
0x76: {  	_ =	shalt  }
0x77: {  	_ =	shalt  }
0x78: {  	_ =	shalt  }
0x79: {  	_ =	shalt  }
0x7a: {  	_ =	shalt  }
0x7b: {  	_ =	shalt  }
0x7c: {  	_ =	shalt  }
0x7d: {  	_ =	shalt  }
0x7e: {  	_ =	shalt  }
0x7f: {  	_ =	shalt  }
0x80: {  	_ =	shalt  }
0x81: {  	_ =	shalt  }
0x82: {  	_ =	shalt  }
0x83: {  	_ =	shalt  }
0x84: {  	_ =	shalt  }
0x85: {  	_ =	shalt  }
0x86: {  	_ =	shalt  }
0x87: {  	_ =	shalt  }
.Lfunc_end0:
.L_simem_size_0:
called_computation_lowered:
.L_overlay_start_0:
0x88: {  	s2 =	sld [smem:$0x3FD9]  }
0x89: {  	s3 =	sld [smem:$0x3FFE];
	_ =	sdelay $0x1  }
0x8a: {  	s1 =	srdreg.scid  }
0x8b: {  	s0 =	sand.u32 $0x1, s1  }
0x8c: {  	s17 =	sshll.u32 s0, $0xA;
	s2 =	sadd.s32 s3, s2  }
0x8d: {  	s2 =	sadd.s32 s2, s17  }
0x8e: {  	[smem:$0x3FC6] =	sst s2  }
0x8f: {  	_ = 	snop  }
0x90: {  	s2 =	sld [smem:$0x3FC8]  }
0x91: {  	s18 =	sld [smem:$0x3FD0];
	(tm) =	ssettm $0x1  }
0x92: {  	s4 =	sld [smem:$0x3FFB];
	_ =	sdelay $0x3  }
0x93: {  	_ =	strace s4  }
0x94: {  	s4 =	sld [smem:$0x3FFC];
	_ =	sdelay $0x3  }
0x95: {  	_ =	strace s4  }
0x96: {  	s4 =	sld [smem:$0x3FFD];
	_ =	sdelay $0x3  }
0x97: {  	_ =	strace s4  }
0x98: {  	_ =	strace $0x8FFFFFFF  }
0x99: {  	s19 =	sld [smem:$0x3FDB];
	_ =	sdelay $0x1  }
0x9a: {  	s5 =	simm.s32 $_scs_section_size  }
0x9b: {  	s6 =	simm.s32 $_size__tile_overlayer_lowered;
	s7 =	simm.s32 $_tile_overlayer_lowered  }
0x9c: {  	s22 =	simm.s32 $0x1BFF;
	s21 =	sshll.u32 s7, $0x1;
	s4 =	sadd.s32 s5, s19  }
0x9d: {  	s8 =	simm.s32 $0x0;
	s20 =	sshll.u32 s6, $0x1;
	s6 =	sadd.s32 s21, s4  }
0x9e: {  	[timem:s8], [sflag:s22] =	dma.local [hbm:s6], s20  }
0x9f: {  	_ =	swait.ge [sflag:s22], s20  }
0xa0: {  	s5 =	ssub.s32 $0x0, s20;
	[sflag:s22] =	ssyncset.done $0x0  }
0xa1: {  	[sflag:s22] =	ssyncadd.s32 s5;
	_ =	sdelay $0x1  }
0xa2: {  	s23 =	simm.s32 $0x1B8B  }
0xa3: {  	_ =	swait.ge [sflag:s23], $0x1  }
0xa4: {  	[sflag:s23] =	ssyncset.done $0x0  }
0xa5: {  	s25 =	simm.s32 $0x1B8E;
	s24 =	sld [smem:$0x3FFE];
	[sflag:s23] =	ssyncadd.s32 $0xFFFFFFFF  }
0xa6: {  	s26 =	simm.s32 $execute0_lowered;
	[smem:$0x3FD2] =	sst s25  }
0xa7: {  	s6 =	sshll.u32 s26, $0x1;
	_ =	strace $0x80000046;
	[dreg:$0x1] =	wrdreg $0xFFFFFFFF  }
0xa8: {  	s28 =	simm.s32 $_size_execute0_lowered;
	s4 =	sadd.s32 s4, s6;
	[dreg:$0x0] =	wrdreg $0x0  }
0xa9: {  	s6 =	sshll.u32 s28, $0x1;
	[dreg:$0x2] =	wrdreg s4  }
0xaa: {  	[dreg:$0x3] =	wrdreg s6  }
0xab: {  	[dreg:$0x4] =	wrdreg $0xC0  }
0xac: {  	_ =	task [dreg:s8], $0x5FFFF  }
0xad: {  	[dreg:$0x1] =	wrdreg $0xFFFFFFFF  }
0xae: {  	[dreg:$0x0] =	wrdreg $0x60  }
0xaf: {  	[dreg:$0x2] =	wrdreg s2  }
0xb0: {  	[dreg:$0x3] =	wrdreg s24  }
0xb1: {  	[dreg:$0x4] =	wrdreg s18  }
0xb2: {  	[dreg:$0x5] =	wrdreg $0x9  }
0xb3: {  	_ =	task.clear_ibuf [dreg:s8], $0x6FFFF;
	_ =	strace $0x90000046  }
0xb4: {  	s29 =	simm.s32 $0x9;
	_ =	strace $0x80000048  }
0xb5: {  	_ =	swait.ge [sflag:s29], $0x1  }
0xb6: {  	[sflag:s29] =	ssyncadd.s32 $0xFFFFFFFF  }
0xb7: {  	_ =	strace $0x90000048  }
0xb8: {  	_ =	sfence  }
0xb9: {  	s30 =	sld [smem:$0x0];
	_ =	sdelay $0x2  }
0xba: {  	s31 =	sshll.u32 s1, $0xD;
	s1 =	sshrl.u32 s1, $0x2  }
0xbb: {  	s3 =	sand.u32 $0x4000, s31;
	s1 =	sadd.s32 s1, s30  }
0xbc: {  	s0 =	sor.u32 s3, s0;
	s1 =	sshll.u32 s1, $0x11  }
0xbd: {  	s0 =	sor.u32 s1, s0  }
0xbe: {  	s0 =	sadd.s32 $0x8F2B, s0  }
0xbf: {  	[sflag:s0] =	ssyncadd.remote.s32 $0x1  }
0xc0: {  	_ =	sfence.sel $0xFFFF  }
0xc1: {  	[dreg:$0x0] =	wrdreg $0xFFFFFFFF;
	(pc) =	sbr.abs _section_cstart, $3  }
0xc2: {  	[dreg:$0x1] =	wrdreg $0xFFFFFFFF  }
0xc3: {  	_ =	task.clear_ibuf [dreg:s8], $0x2FFFF;
	_ =	strace $0x9FFFFFFF  }
0xc4: {  	(tm) =	ssettm $0x7FFFFFFF  }
0xc5: {  	_ =	shalt  }
tec
execute0_lowered:
.L_overlay_start_1:
0x0: {  	(tag) =	ssettag $0x1  }
0x1: {  	s1 =	rddreg [dreg:$0x0]  }
0x2: {  	s0 =	rddreg [dreg:$0x1]  }
0x3: {  	s8 =	rddreg [dreg:$0x2]  }
0x4: {  	s2 =	srdreg.scid;
	s7 =	stileid.u32;
	s4 =	simm.s32 $0x0  }
0x5: {  	s29 =	simm.s32 $0x7;
	s31 =	simm.s32 $0x8;
	s9 =	simm.s32 $0xD  }
0x6: {  	s2 =	sand.u32 $0x1, s2;
	s3 =	sshll.u32 s7, $0x1;
	s11 =	smul.u32 $0x68000, s7  }
0x7: {  	[smem:$0x7FF] =	sst s4;
	s13 =	smul.u32 $0x340000, s7;
	s7 =	simm.s32 $0xB  }
0x8: {  	s3 =	sor.u32 s2, s3;
	s6 =	ssub.s32 $0x2, s2;
	s16 =	smul.u32 $0x1A0000, s2  }
0x9: {  	_ =	strace $0x80000047;
	s2 =	smul.u32 $0x34000, s2;
	s5 =	sshll.u32 s3, $0xB  }
0xa: {  	s3 =	smul.u32 $0x1A0000, s3;
	s10 =	sshrl.u32 s6, $0x1;
	s0 =	sadd.s32 s5, s0  }
0xb: {  	s5 =	ssub.s32 s6, s10;
	s2 =	sadd.s32 s2, s11;
	s6 =	simm.s32 $0xA  }
0xc: {  	s3 =	sshrl.u32 s3, $0x3;
	s0 =	sadd.s32 $0x400, s0;
	[dreg:$0x4] =	wrdreg s2  }
0xd: {  	s30 =	smax.u32 s5, $0x1;
	[dreg:$0x9] =	wrdreg s0;
	s12 =	sadd.s32 s8, s3  }
0xe: {  	s10 =	simm.s32 $0xE;
	[dreg:$0x12] =	wrdreg s30;
	s14 =	sadd.s32 $0x30C00, s12  }
0xf: {  	s11 =	simm.s32 $0xF;
	s15 =	sadd.s32 $0x31280, s12;
	[dreg:$0xa] =	wrdreg s14  }
0x10: {  	s5 =	simm.s32 $0x9;
	s8 =	sadd.s32 $0x31900, s12;
	[dreg:$0xb] =	wrdreg s15  }
0x11: {  	s3 =	sadd.s32 s16, s13;
	s17 =	sadd.s32 $0x31F80, s12;
	[dreg:$0xc] =	wrdreg s8  }
0x12: {  	s16 =	simm.s32 $0x68;
	s18 =	sadd.s32 $0x32600, s12;
	[dreg:$0xd] =	wrdreg s17  }
0x13: {  	s19 =	sadd.s32 $0x32C80, s12;
	s20 =	sadd.s32 $0x33300, s12;
	[dreg:$0xe] =	wrdreg s18  }
0x14: {  	s21 =	sor.u32 $0x16C00, s3;
	s23 =	sor.u32 $0x10400, s3;
	[dreg:$0xf] =	wrdreg s19  }
0x15: {  	s25 =	sor.u32 $0x9C00, s3;
	s0 =	sadd.s32 $0x33980, s12;
	[dreg:$0x10] =	wrdreg s20  }
0x16: {  	s3 =	sor.u32 $0x3400, s3;
	s22 =	sshrl.u32 s21, $0x3;
	[dreg:$0x11] =	wrdreg s0  }
0x17: {  	s12 =	simm.s32 $0x10;
	s24 =	sshrl.u32 s23, $0x3;
	[dreg:$0x5] =	wrdreg s22  }
0x18: {  	s26 =	sshrl.u32 s25, $0x3;
	s28 =	sshrl.u32 s3, $0x3;
	[dreg:$0x6] =	wrdreg s24  }
0x19: {  	s18 =	simm.s32 $0x2;
	s20 =	simm.s32 $0x3;
	[dreg:$0x7] =	wrdreg s26  }
0x1a: {  	s8 =	simm.s32 $0xC;
	s0 =	simm.s32 $0x0;
	[dreg:$0x8] =	wrdreg s28  }
0x1b: {  	s22 =	simm.s32 $0x4;
	s24 =	simm.s32 $0x5;
	s26 =	simm.s32 $0x6  }
.LBB2_1:
0x1c: {  	[dreg:$0x13] =	wrdreg s0  }
0x1d: {  	s3 =	rddreg [dreg:$0x9];
	s21 =	simm.s32 $0x11  }
0x1e: {  	[tilespmem:s4], [sflag:$0x11] =	stream.linear.gather [hbm4b:s3+s4], $0x4000, $0x38;
	[tilespmem:$0x1E000] =	vst v63  }
0x1f: {  	_ =	swait.ge [sflag:s21], $0x4000  }
0x20: {  	[sflag:s21] =	ssyncset.done $0x0  }
0x21: {  	s14 =	simm.s32 $0x4000;
	[sflag:s21] =	ssyncadd.s32 $0xFFFFC000  }
0x22: {  	[tilespmem:s14], [sflag:$0x1] =	stream.indirect.gather [hbm4b:s1+s16], $0x80, s4, s16, $0xb8;
	[tilespmem:$0x1E000] =	vst v63  }
0x23: {  	s23 =	simm.s32 $0x80;
	s17 =	simm.s32 $0x7400  }
0x24: {  	[tilespmem:s17], [sflag:$0x2] =	stream.indirect.gather [hbm4b:s1+s16], $0x80, s23, s16, $0xb8;
	[tilespmem:$0x1E000] =	vst v63  }
0x25: {  	s25 =	simm.s32 $0x100;
	s19 =	simm.s32 $0xA800  }
0x26: {  	[tilespmem:s19], [sflag:$0x3] =	stream.indirect.gather [hbm4b:s1+s16], $0x80, s25, s16, $0xb8;
	[tilespmem:$0x1E000] =	vst v63  }
0x27: {  	s28 =	simm.s32 $0x180;
	s21 =	simm.s32 $0xDC00  }
0x28: {  	[tilespmem:s21], [sflag:$0x4] =	stream.indirect.gather [hbm4b:s1+s16], $0x80, s28, s16, $0xb8;
	[tilespmem:$0x1E000] =	vst v63  }
0x29: {  	s30 =	simm.s32 $0x200;
	s23 =	simm.s32 $0x11000  }
0x2a: {  	[tilespmem:s23], [sflag:$0x5] =	stream.indirect.gather [hbm4b:s1+s16], $0x80, s30, s16, $0xb8;
	[tilespmem:$0x1E000] =	vst v63  }
0x2b: {  	s0 =	simm.s32 $0x280;
	s25 =	simm.s32 $0x14400  }
0x2c: {  	[tilespmem:s25], [sflag:$0x6] =	stream.indirect.gather [hbm4b:s1+s16], $0x80, s0, s16, $0xb8;
	[tilespmem:$0x1E000] =	vst v63  }
0x2d: {  	s2 =	simm.s32 $0x300;
	s28 =	simm.s32 $0x17800  }
0x2e: {  	[tilespmem:s28], [sflag:$0x7] =	stream.indirect.gather [hbm4b:s1+s16], $0x80, s2, s16, $0xb8;
	[tilespmem:$0x1E000] =	vst v63  }
0x2f: {  	s13 =	simm.s32 $0x380;
	s15 =	simm.s32 $0x1;
	s2 =	simm.s32 $0x1AC00  }
0x30: {  	[tilespmem:s2], [sflag:$0x8] =	stream.indirect.gather [hbm4b:s1+s16], $0x80, s13, s16, $0xb8;
	[tilespmem:$0x1E000] =	vst v63  }
0x31: {  	_ =	swait.ge [sflag:s15], $0x3400  }
0x32: {  	[sflag:s15] =	ssyncset.done $0x0  }
0x33: {  	s30 =	rddreg [dreg:$0x4];
	[sflag:s15] =	ssyncadd.s32 $0xFFFFCC00  }
0x34: {  	s15 =	rddreg [dreg:$0x2]  }
0x35: {  	s3 =	sadd.s32 s15, s30  }
0x36: {  	[hbm4b:s3+s4] =	stream.linear.scatter [tilespmem:s14], [sflag:$0x9], $0x3400, $0x38;
	[tilespmem:$0x1E000] =	vst v63  }
0x37: {  	_ =	swait.ge [sflag:s18], $0x3400  }
0x38: {  	s13 =	rddreg [dreg:$0x8];
	[sflag:s18] =	ssyncset.done $0x0  }
0x39: {  	[sflag:s18] =	ssyncadd.s32 $0xFFFFCC00;
	s13 =	sadd.s32 s15, s13  }
0x3a: {  	[hbm4b:s13+s4] =	stream.linear.scatter [tilespmem:s17], [sflag:$0xA], $0x3400, $0x38;
	[tilespmem:$0x1E000] =	vst v63  }
0x3b: {  	_ =	swait.ge [sflag:s20], $0x3400  }
0x3c: {  	[sflag:s20] =	ssyncset.done $0x0  }
0x3d: {  	s0 =	sadd.s32 $0xD00, s3;
	[sflag:s20] =	ssyncadd.s32 $0xFFFFCC00  }
0x3e: {  	[hbm4b:s0+s4] =	stream.linear.scatter [tilespmem:s19], [sflag:$0xB], $0x3400, $0x38;
	[tilespmem:$0x1E000] =	vst v63  }
0x3f: {  	_ =	swait.ge [sflag:s22], $0x3400  }
0x40: {  	s30 =	rddreg [dreg:$0x7];
	[sflag:s22] =	ssyncset.done $0x0  }
0x41: {  	[sflag:s22] =	ssyncadd.s32 $0xFFFFCC00;
	s13 =	sadd.s32 s15, s30  }
0x42: {  	[hbm4b:s13+s4] =	stream.linear.scatter [tilespmem:s21], [sflag:$0xC], $0x3400, $0x38;
	[tilespmem:$0x1E000] =	vst v63  }
0x43: {  	_ =	swait.ge [sflag:s24], $0x3400  }
0x44: {  	[sflag:s24] =	ssyncset.done $0x0  }
0x45: {  	s0 =	sadd.s32 $0x1A00, s3;
	[sflag:s24] =	ssyncadd.s32 $0xFFFFCC00  }
0x46: {  	[hbm4b:s0+s4] =	stream.linear.scatter [tilespmem:s23], [sflag:$0xD], $0x3400, $0x38;
	[tilespmem:$0x1E000] =	vst v63  }
0x47: {  	_ =	swait.ge [sflag:s26], $0x3400  }
0x48: {  	s30 =	rddreg [dreg:$0x6];
	[sflag:s26] =	ssyncset.done $0x0  }
0x49: {  	[sflag:s26] =	ssyncadd.s32 $0xFFFFCC00;
	s13 =	sadd.s32 s15, s30  }
0x4a: {  	[hbm4b:s13+s4] =	stream.linear.scatter [tilespmem:s25], [sflag:$0xE], $0x3400, $0x38;
	[tilespmem:$0x1E000] =	vst v63  }
0x4b: {  	_ =	swait.ge [sflag:s29], $0x3400  }
0x4c: {  	[sflag:s29] =	ssyncset.done $0x0  }
0x4d: {  	s3 =	sadd.s32 $0x2700, s3;
	[sflag:s29] =	ssyncadd.s32 $0xFFFFCC00  }
0x4e: {  	[hbm4b:s3+s4] =	stream.linear.scatter [tilespmem:s28], [sflag:$0xF], $0x3400, $0x38;
	[tilespmem:$0x1E000] =	vst v63  }
0x4f: {  	_ =	swait.ge [sflag:s31], $0x3400  }
0x50: {  	s0 =	rddreg [dreg:$0x5];
	[sflag:s31] =	ssyncset.done $0x0  }
0x51: {  	[sflag:s31] =	ssyncadd.s32 $0xFFFFCC00;
	s3 =	sadd.s32 s15, s0  }
0x52: {  	[hbm4b:s3+s4] =	stream.linear.scatter [tilespmem:s2], [sflag:$0x10], $0x3400, $0x38;
	[tilespmem:$0x1E000] =	vst v63  }
0x53: {  	_ =	swait.ge [sflag:s5], $0x3400  }
0x54: {  	[sflag:s5] =	ssyncset.done $0x0  }
0x55: {  	s13 =	simm.s32 $0x400;
	[sflag:s5] =	ssyncadd.s32 $0xFFFFCC00  }
0x56: {  	[tilespmem:s14], [sflag:$0x1] =	stream.indirect.gather [hbm4b:s1+s16], $0x80, s13, s16, $0xb8;
	[tilespmem:$0x1E000] =	vst v63  }
0x57: {  	_ =	swait.ge [sflag:s6], $0x3400  }
0x58: {  	[sflag:s6] =	ssyncset.done $0x0  }
0x59: {  	s14 =	simm.s32 $0x480;
	[sflag:s6] =	ssyncadd.s32 $0xFFFFCC00  }
0x5a: {  	[tilespmem:s17], [sflag:$0x2] =	stream.indirect.gather [hbm4b:s1+s16], $0x80, s14, s16, $0xb8;
	[tilespmem:$0x1E000] =	vst v63  }
0x5b: {  	_ =	swait.ge [sflag:s7], $0x3400  }
0x5c: {  	[sflag:s7] =	ssyncset.done $0x0  }
0x5d: {  	s17 =	simm.s32 $0x500;
	[sflag:s7] =	ssyncadd.s32 $0xFFFFCC00  }
0x5e: {  	[tilespmem:s19], [sflag:$0x3] =	stream.indirect.gather [hbm4b:s1+s16], $0x80, s17, s16, $0xb8;
	[tilespmem:$0x1E000] =	vst v63  }
0x5f: {  	_ =	swait.ge [sflag:s8], $0x3400  }
0x60: {  	[sflag:s8] =	ssyncset.done $0x0  }
0x61: {  	s19 =	simm.s32 $0x580;
	[sflag:s8] =	ssyncadd.s32 $0xFFFFCC00  }
0x62: {  	[tilespmem:s21], [sflag:$0x4] =	stream.indirect.gather [hbm4b:s1+s16], $0x80, s19, s16, $0xb8;
	[tilespmem:$0x1E000] =	vst v63  }
0x63: {  	_ =	swait.ge [sflag:s9], $0x3400  }
0x64: {  	[sflag:s9] =	ssyncset.done $0x0  }
0x65: {  	s21 =	simm.s32 $0x600;
	[sflag:s9] =	ssyncadd.s32 $0xFFFFCC00  }
0x66: {  	[tilespmem:s23], [sflag:$0x5] =	stream.indirect.gather [hbm4b:s1+s16], $0x80, s21, s16, $0xb8;
	[tilespmem:$0x1E000] =	vst v63  }
0x67: {  	_ =	swait.ge [sflag:s10], $0x3400  }
0x68: {  	[sflag:s10] =	ssyncset.done $0x0  }
0x69: {  	s23 =	simm.s32 $0x680;
	[sflag:s10] =	ssyncadd.s32 $0xFFFFCC00  }
0x6a: {  	[tilespmem:s25], [sflag:$0x6] =	stream.indirect.gather [hbm4b:s1+s16], $0x80, s23, s16, $0xb8;
	[tilespmem:$0x1E000] =	vst v63  }
0x6b: {  	_ =	swait.ge [sflag:s11], $0x3400  }
0x6c: {  	[sflag:s11] =	ssyncset.done $0x0  }
0x6d: {  	s30 =	simm.s32 $0x700;
	[sflag:s11] =	ssyncadd.s32 $0xFFFFCC00  }
0x6e: {  	[tilespmem:s28], [sflag:$0x7] =	stream.indirect.gather [hbm4b:s1+s16], $0x80, s30, s16, $0xb8;
	[tilespmem:$0x1E000] =	vst v63  }
0x6f: {  	_ =	swait.ge [sflag:s12], $0x3400  }
0x70: {  	s15 =	sadd.s32 $0x3400, s15;
	[sflag:s12] =	ssyncset.done $0x0  }
0x71: {  	s3 =	simm.s32 $0x780;
	s14 =	simm.s32 $0x1000;
	[sflag:s12] =	ssyncadd.s32 $0xFFFFCC00  }
.LBB2_2:
0x72: {  	s2 =	simm.s32 $0x1AC00;
	s0 =	simm.s32 $0x1  }
0x73: {  	[tilespmem:s2], [sflag:$0x8] =	stream.indirect.gather [hbm4b:s1+s16], $0x80, s3, s16, $0xb8;
	[tilespmem:$0x1E000] =	vst v63  }
0x74: {  	_ =	swait.ge [sflag:s0], $0x3400  }
0x75: {  	s13 =	rddreg [dreg:$0x4];
	[sflag:s0] =	ssyncset.done $0x0  }
0x76: {  	s19 =	simm.s32 $0x4000;
	[sflag:s0] =	ssyncadd.s32 $0xFFFFCC00;
	s13 =	sadd.s32 s15, s13  }
0x77: {  	[hbm4b:s13+s4] =	stream.linear.scatter [tilespmem:s19], [sflag:$0x9], $0x3400, $0x38;
	[tilespmem:$0x1E000] =	vst v63  }
0x78: {  	_ =	swait.ge [sflag:s18], $0x3400  }
0x79: {  	s17 =	rddreg [dreg:$0x8];
	[sflag:s18] =	ssyncset.done $0x0  }
0x7a: {  	s21 =	simm.s32 $0x7400;
	[sflag:s18] =	ssyncadd.s32 $0xFFFFCC00;
	s17 =	sadd.s32 s15, s17  }
0x7b: {  	[hbm4b:s17+s4] =	stream.linear.scatter [tilespmem:s21], [sflag:$0xA], $0x3400, $0x38;
	[tilespmem:$0x1E000] =	vst v63  }
0x7c: {  	_ =	swait.ge [sflag:s20], $0x3400  }
0x7d: {  	[sflag:s20] =	ssyncset.done $0x0  }
0x7e: {  	s23 =	simm.s32 $0xA800;
	s0 =	sadd.s32 $0xD00, s13;
	[sflag:s20] =	ssyncadd.s32 $0xFFFFCC00  }
0x7f: {  	[hbm4b:s0+s4] =	stream.linear.scatter [tilespmem:s23], [sflag:$0xB], $0x3400, $0x38;
	[tilespmem:$0x1E000] =	vst v63  }
0x80: {  	_ =	swait.ge [sflag:s22], $0x3400  }
0x81: {  	s25 =	rddreg [dreg:$0x7];
	[sflag:s22] =	ssyncset.done $0x0  }
0x82: {  	[sflag:s22] =	ssyncadd.s32 $0xFFFFCC00;
	s17 =	sadd.s32 s15, s25;
	s25 =	simm.s32 $0xDC00  }
0x83: {  	[hbm4b:s17+s4] =	stream.linear.scatter [tilespmem:s25], [sflag:$0xC], $0x3400, $0x38;
	[tilespmem:$0x1E000] =	vst v63  }
0x84: {  	_ =	swait.ge [sflag:s24], $0x3400  }
0x85: {  	[sflag:s24] =	ssyncset.done $0x0  }
0x86: {  	s28 =	simm.s32 $0x11000;
	s0 =	sadd.s32 $0x1A00, s13;
	[sflag:s24] =	ssyncadd.s32 $0xFFFFCC00  }
0x87: {  	[hbm4b:s0+s4] =	stream.linear.scatter [tilespmem:s28], [sflag:$0xD], $0x3400, $0x38;
	[tilespmem:$0x1E000] =	vst v63  }
0x88: {  	_ =	swait.ge [sflag:s26], $0x3400  }
0x89: {  	s0 =	rddreg [dreg:$0x6];
	[sflag:s26] =	ssyncset.done $0x0  }
0x8a: {  	s30 =	simm.s32 $0x14400;
	[sflag:s26] =	ssyncadd.s32 $0xFFFFCC00;
	s17 =	sadd.s32 s15, s0  }
0x8b: {  	[hbm4b:s17+s4] =	stream.linear.scatter [tilespmem:s30], [sflag:$0xE], $0x3400, $0x38;
	[tilespmem:$0x1E000] =	vst v63  }
0x8c: {  	_ =	swait.ge [sflag:s29], $0x3400  }
0x8d: {  	[sflag:s29] =	ssyncset.done $0x0  }
0x8e: {  	s13 =	sadd.s32 $0x2700, s13;
	s0 =	simm.s32 $0x17800;
	[sflag:s29] =	ssyncadd.s32 $0xFFFFCC00  }
0x8f: {  	[hbm4b:s13+s4] =	stream.linear.scatter [tilespmem:s0], [sflag:$0xF], $0x3400, $0x38;
	[tilespmem:$0x1E000] =	vst v63  }
0x90: {  	_ =	swait.ge [sflag:s31], $0x3400  }
0x91: {  	s17 =	rddreg [dreg:$0x5];
	[sflag:s31] =	ssyncset.done $0x0  }
0x92: {  	[sflag:s31] =	ssyncadd.s32 $0xFFFFCC00;
	s13 =	sadd.s32 s15, s17  }
0x93: {  	[hbm4b:s13+s4] =	stream.linear.scatter [tilespmem:s2], [sflag:$0x10], $0x3400, $0x38;
	[tilespmem:$0x1E000] =	vst v63  }
0x94: {  	s3 =	smov.u32 s14;
	_ =	swait.ge [sflag:s5], $0x3400  }
0x95: {  	s3 =	sshra.s32 s3, $0x2;
	[sflag:s5] =	ssyncset.done $0x0  }
0x96: {  	s2 =	sadd.s32 $0x400, s3;
	[sflag:s5] =	ssyncadd.s32 $0xFFFFCC00  }
0x97: {  	[tilespmem:s19], [sflag:$0x1] =	stream.indirect.gather [hbm4b:s1+s16], $0x80, s2, s16, $0xb8;
	[tilespmem:$0x1E000] =	vst v63  }
0x98: {  	_ =	swait.ge [sflag:s6], $0x3400  }
0x99: {  	[sflag:s6] =	ssyncset.done $0x0  }
0x9a: {  	s2 =	sadd.s32 $0x480, s3;
	[sflag:s6] =	ssyncadd.s32 $0xFFFFCC00  }
0x9b: {  	[tilespmem:s21], [sflag:$0x2] =	stream.indirect.gather [hbm4b:s1+s16], $0x80, s2, s16, $0xb8;
	[tilespmem:$0x1E000] =	vst v63  }
0x9c: {  	_ =	swait.ge [sflag:s7], $0x3400  }
0x9d: {  	[sflag:s7] =	ssyncset.done $0x0  }
0x9e: {  	s2 =	sadd.s32 $0x500, s3;
	[sflag:s7] =	ssyncadd.s32 $0xFFFFCC00  }
0x9f: {  	[tilespmem:s23], [sflag:$0x3] =	stream.indirect.gather [hbm4b:s1+s16], $0x80, s2, s16, $0xb8;
	[tilespmem:$0x1E000] =	vst v63  }
0xa0: {  	_ =	swait.ge [sflag:s8], $0x3400  }
0xa1: {  	[sflag:s8] =	ssyncset.done $0x0  }
0xa2: {  	s2 =	sadd.s32 $0x580, s3;
	[sflag:s8] =	ssyncadd.s32 $0xFFFFCC00  }
0xa3: {  	[tilespmem:s25], [sflag:$0x4] =	stream.indirect.gather [hbm4b:s1+s16], $0x80, s2, s16, $0xb8;
	[tilespmem:$0x1E000] =	vst v63  }
0xa4: {  	_ =	swait.ge [sflag:s9], $0x3400  }
0xa5: {  	[sflag:s9] =	ssyncset.done $0x0  }
0xa6: {  	s2 =	sadd.s32 $0x600, s3;
	[sflag:s9] =	ssyncadd.s32 $0xFFFFCC00  }
0xa7: {  	[tilespmem:s28], [sflag:$0x5] =	stream.indirect.gather [hbm4b:s1+s16], $0x80, s2, s16, $0xb8;
	[tilespmem:$0x1E000] =	vst v63  }
0xa8: {  	_ =	swait.ge [sflag:s10], $0x3400  }
0xa9: {  	[sflag:s10] =	ssyncset.done $0x0  }
0xaa: {  	p0 =	sne.s32 s14, $0xE000;
	s2 =	sadd.s32 $0x680, s3;
	[sflag:s10] =	ssyncadd.s32 $0xFFFFCC00  }
0xab: {  	[tilespmem:s30], [sflag:$0x6] =	stream.indirect.gather [hbm4b:s1+s16], $0x80, s2, s16, $0xb8;
	[tilespmem:$0x1E000] =	vst v63  }
0xac: {  	s14 =	sadd.s32 $0x1000, s14;
	s17 =	simm.s32 $0x4000;
	_ =	swait.ge [sflag:s11], $0x3400  }
0xad: {  	s15 =	sadd.s32 $0x3400, s15;
	s19 =	simm.s32 $0x7400;
	[sflag:s11] =	ssyncset.done $0x0  }
.Ltmp0:
0xae: {  	s2 =	sadd.s32 $0x700, s3;
	[sflag:s11] =	ssyncadd.s32 $0xFFFFCC00;
	(pc) =	sbr.rel @p0 .LBB2_2-.Ltmp0, $4  }
0xaf: {  	[tilespmem:s0], [sflag:$0x7] =	stream.indirect.gather [hbm4b:s1+s16], $0x80, s2, s16, $0xb8;
	[tilespmem:$0x1E000] =	vst v63  }
0xb0: {  	s21 =	simm.s32 $0xA800;
	s23 =	simm.s32 $0xDC00;
	_ =	swait.ge [sflag:s12], $0x3400  }
0xb1: {  	s25 =	simm.s32 $0x11000;
	s28 =	simm.s32 $0x14400;
	[sflag:s12] =	ssyncset.done $0x0  }
0xb2: {  	s30 =	simm.s32 $0x17800;
	s3 =	sadd.s32 $0x780, s3;
	[sflag:s12] =	ssyncadd.s32 $0xFFFFCC00  }
0xb3: {  	s0 =	simm.s32 $0x1AC00;
	s2 =	simm.s32 $0x1  }
0xb4: {  	[tilespmem:s0], [sflag:$0x8] =	stream.indirect.gather [hbm4b:s1+s16], $0x80, s3, s16, $0xb8;
	[tilespmem:$0x1E000] =	vst v63  }
0xb5: {  	_ =	swait.ge [sflag:s2], $0x3400  }
0xb6: {  	[sflag:s2] =	ssyncset.done $0x0  }
0xb7: {  	s13 =	rddreg [dreg:$0xa];
	[sflag:s2] =	ssyncadd.s32 $0xFFFFCC00  }
0xb8: {  	[hbm4b:s13+s4] =	stream.linear.scatter [tilespmem:s17], [sflag:$0x9], $0x3400, $0x38;
	[tilespmem:$0x1E000] =	vst v63  }
0xb9: {  	_ =	swait.ge [sflag:s18], $0x3400  }
0xba: {  	[sflag:s18] =	ssyncset.done $0x0  }
0xbb: {  	s14 =	rddreg [dreg:$0xb];
	[sflag:s18] =	ssyncadd.s32 $0xFFFFCC00  }
0xbc: {  	[hbm4b:s14+s4] =	stream.linear.scatter [tilespmem:s19], [sflag:$0xA], $0x3400, $0x38;
	[tilespmem:$0x1E000] =	vst v63  }
0xbd: {  	_ =	swait.ge [sflag:s20], $0x3400  }
0xbe: {  	[sflag:s20] =	ssyncset.done $0x0  }
0xbf: {  	s15 =	rddreg [dreg:$0xc];
	[sflag:s20] =	ssyncadd.s32 $0xFFFFCC00  }
0xc0: {  	[hbm4b:s15+s4] =	stream.linear.scatter [tilespmem:s21], [sflag:$0xB], $0x3400, $0x38;
	[tilespmem:$0x1E000] =	vst v63  }
0xc1: {  	_ =	swait.ge [sflag:s22], $0x3400  }
0xc2: {  	[sflag:s22] =	ssyncset.done $0x0  }
0xc3: {  	s17 =	rddreg [dreg:$0xd];
	[sflag:s22] =	ssyncadd.s32 $0xFFFFCC00  }
0xc4: {  	[hbm4b:s17+s4] =	stream.linear.scatter [tilespmem:s23], [sflag:$0xC], $0x3400, $0x38;
	[tilespmem:$0x1E000] =	vst v63  }
0xc5: {  	_ =	swait.ge [sflag:s24], $0x3400  }
0xc6: {  	[sflag:s24] =	ssyncset.done $0x0  }
0xc7: {  	s19 =	rddreg [dreg:$0xe];
	[sflag:s24] =	ssyncadd.s32 $0xFFFFCC00  }
0xc8: {  	[hbm4b:s19+s4] =	stream.linear.scatter [tilespmem:s25], [sflag:$0xD], $0x3400, $0x38;
	[tilespmem:$0x1E000] =	vst v63  }
0xc9: {  	_ =	swait.ge [sflag:s26], $0x3400  }
0xca: {  	[sflag:s26] =	ssyncset.done $0x0  }
0xcb: {  	s21 =	rddreg [dreg:$0xf];
	[sflag:s26] =	ssyncadd.s32 $0xFFFFCC00  }
0xcc: {  	[hbm4b:s21+s4] =	stream.linear.scatter [tilespmem:s28], [sflag:$0xE], $0x3400, $0x38;
	[tilespmem:$0x1E000] =	vst v63  }
0xcd: {  	_ =	swait.ge [sflag:s29], $0x3400  }
0xce: {  	[sflag:s29] =	ssyncset.done $0x0  }
0xcf: {  	s23 =	rddreg [dreg:$0x10];
	[sflag:s29] =	ssyncadd.s32 $0xFFFFCC00  }
0xd0: {  	[hbm4b:s23+s4] =	stream.linear.scatter [tilespmem:s30], [sflag:$0xF], $0x3400, $0x38;
	[tilespmem:$0x1E000] =	vst v63  }
0xd1: {  	_ =	swait.ge [sflag:s31], $0x3400  }
0xd2: {  	[sflag:s31] =	ssyncset.done $0x0  }
0xd3: {  	s25 =	rddreg [dreg:$0x11];
	[sflag:s31] =	ssyncadd.s32 $0xFFFFCC00  }
0xd4: {  	[hbm4b:s25+s4] =	stream.linear.scatter [tilespmem:s0], [sflag:$0x10], $0x3400, $0x38;
	[tilespmem:$0x1E000] =	vst v63  }
0xd5: {  	_ =	swait.ge [sflag:s5], $0x3400  }
0xd6: {  	[sflag:s5] =	ssyncset.done $0x0  }
0xd7: {  	[sflag:s5] =	ssyncadd.s32 $0xFFFFCC00  }
0xd8: {  	_ =	swait.ge [sflag:s6], $0x3400  }
0xd9: {  	[sflag:s6] =	ssyncset.done $0x0  }
0xda: {  	[sflag:s6] =	ssyncadd.s32 $0xFFFFCC00  }
0xdb: {  	_ =	swait.ge [sflag:s7], $0x3400  }
0xdc: {  	[sflag:s7] =	ssyncset.done $0x0  }
0xdd: {  	[sflag:s7] =	ssyncadd.s32 $0xFFFFCC00  }
0xde: {  	_ =	swait.ge [sflag:s8], $0x3400  }
0xdf: {  	[sflag:s8] =	ssyncset.done $0x0  }
0xe0: {  	[sflag:s8] =	ssyncadd.s32 $0xFFFFCC00  }
0xe1: {  	_ =	swait.ge [sflag:s9], $0x3400  }
0xe2: {  	[sflag:s9] =	ssyncset.done $0x0  }
0xe3: {  	[sflag:s9] =	ssyncadd.s32 $0xFFFFCC00  }
0xe4: {  	_ =	swait.ge [sflag:s10], $0x3400  }
0xe5: {  	[sflag:s10] =	ssyncset.done $0x0  }
0xe6: {  	[sflag:s10] =	ssyncadd.s32 $0xFFFFCC00  }
0xe7: {  	_ =	swait.ge [sflag:s11], $0x3400  }
0xe8: {  	[sflag:s11] =	ssyncset.done $0x0  }
0xe9: {  	[sflag:s11] =	ssyncadd.s32 $0xFFFFCC00  }
0xea: {  	_ =	swait.ge [sflag:s12], $0x3400  }
0xeb: {  	s28 =	rddreg [dreg:$0x13]  }
0xec: {  	s30 =	rddreg [dreg:$0x12];
	s0 =	sadd.s32 $0x1, s28  }
0xed: {  	p0 =	sne.s32 s0, s30  }
.Ltmp1:
0xee: {  	_ = 	snop;
	(pc) =	sbr.rel @p0 .LBB2_1-.Ltmp1, $3  }
0xef: {  	_ =	sdelay $0x1  }
0xf0: {  	[sflag:s12] =	ssyncset.done $0x0  }
0xf1: {  	[sflag:s12] =	ssyncadd.s32 $0xFFFFCC00  }
0xf2: {  	_ =	sfence.sel $0x180000  }
0xf3: {  	[bflag:$0x0] =	sbarrier.arrive $0xFFFF  }
0xf4: {  	_ =	strace $0x90000047  }
0xf5: {  	s0 =	stileid.u32;
	[bflag:$0x2] =	sbarrier.arrive $0xFFFF  }
0xf6: {  	p0 =	sne.s32 s0, $0x0;
	s0 =	rddreg [dreg:$0x3]  }
0xf7: {  	s0 =	sadd.s32 @!p0 $0x100000, s0  }
0xf8: {  	[sflag:s0] =	ssyncadd.tile.s32 @!p0 $0x1;
	_ =	shalt  }
.Lfunc_end2:
_tile_overlayer_lowered:
.L_overlay_start_2:
0xf9: {  	(tag) =	ssettag $0x2  }
0xfa: {  	s0 =	rddreg [dreg:$0x0];
	s2 =	stileid.u32  }
0xfb: {  	s1 =	rddreg [dreg:$0x1];
	p0 =	sne.s32 s2, $0x0  }
0xfc: {  	s3 =	rddreg [dreg:$0x2];
	[bflag:$0x3] =	sbarrier.arrive $0xFFFF;
	s2 =	simm.s32 @!p0 $0x1C11  }
0xfd: {  	[timem:s3], [sflag:s2] =	dma.local @!p0 [hbm:s0], s1  }
0xfe: {  	s0 =	simm.s32 @!p0 $0x11  }
0xff: {  	_ =	swait.ge @!p0 [sflag:s0], s1  }
0x100: {  	s1 =	ssub.s32 @!p0 $0x0, s1;
	[sflag:s0] =	ssyncset.done @!p0 $0x0  }
0x101: {  	[sflag:s0] =	ssyncadd.s32 @!p0 s1  }
0x102: {  	[bflag:$0x3] =	sbarrier.arrive $0xFFFF  }
0x103: {  	_ =	shalt  }

</sc_bundles>
